<compile_context>
chip_gen: v7x
topology: tpu7x:2x2x1
jax: 0.10.2.dev20260603
libtpu: 0.0.44.dev20260713+nightly
codegen_flags: <defaults>
</compile_context>

<pallas_src>
import functools

import jax
import jax.numpy as jnp
from jax import lax
from jax.experimental import pallas as pl
from jax.experimental.pallas import tpu as pltpu
from jax.experimental.pallas import tpu_sc as plsc

_INFO = plsc.get_sparse_core_info()
_NC = _INFO.num_cores
_NS = _INFO.num_subcores
_NW = _NC * _NS

_NBUF = 4
_SKEW = 2


def _gather_body(n_chunks, chunk, table_hbm, idx_hbm, out_hbm,
                 i0, i1, i2, i3, r0, r1, r2, r3,
                 g0, g1, g2, g3, w0, w1, w2, w3):
    idxb = (i0, i1, i2, i3)
    rows = (r0, r1, r2, r3)
    gsems = (g0, g1, g2, g3)
    wsems = (w0, w1, w2, w3)

    wid = lax.axis_index("s") * _NC + lax.axis_index("c")
    base = wid * n_chunks

    def out_slice(i):
        return out_hbm.at[base + i]

    def start_gather(j, b):
        pltpu.sync_copy(idx_hbm.at[base + j], idxb[b])
        pltpu.async_copy(table_hbm.at[idxb[b]], rows[b], gsems[b])

    def wait_gather(j, b):
        pltpu.make_async_copy(table_hbm.at[idxb[b]], rows[b],
                              gsems[b]).wait()

    def start_write(i, b):
        pltpu.async_copy(rows[b], out_slice(i), wsems[b])

    def wait_write(i, b):
        pltpu.make_async_copy(rows[b], out_slice(i), wsems[b]).wait()

    def slot(i, b, first, last):
        wait_gather(i, b)
        start_write(i, b)
        bj = (b + _SKEW) % _NBUF
        if not first:
            wait_write(i - _SKEW, bj)
        if not last:
            start_gather(i + _SKEW, bj)

    for j in range(_SKEW):
        start_gather(j, j % _NBUF)

    for b in range(_NBUF):
        slot(b, b, first=b < _SKEW, last=False)

    def step(g, carry):
        for b in range(_NBUF):
            slot(g * _NBUF + b, b, first=False, last=False)
        return carry

    lax.fori_loop(1, n_chunks // _NBUF - 1, step, 0)

    for b in range(_NBUF):
        i = n_chunks - _NBUF + b
        slot(i, b, first=False, last=b >= _NBUF - _SKEW)

    for i in range(n_chunks - _SKEW, n_chunks):
        wait_write(i, i % _NBUF)


@functools.partial(jax.jit, static_argnames=("b", "l", "d"))
def _lookup(batch2d, table, b, l, d):
    assert b % _NW == 0
    n_chunks = b // _NW
    assert n_chunks % _NBUF == 0 and n_chunks >= 3 * _NBUF
    mesh = plsc.VectorSubcoreMesh(core_axis_name="c", subcore_axis_name="s")
    return pl.kernel(
        functools.partial(_gather_body, n_chunks, l),
        out_type=jax.ShapeDtypeStruct((b, l, d), jnp.float32),
        mesh=mesh,
        compiler_params=pltpu.CompilerParams(use_tc_tiling_on_sc=True,
                                             skip_device_barrier=True),
        scratch_types=[
            *([pltpu.VMEM((l,), jnp.int32)] * _NBUF),
            *([pltpu.VMEM((l, d), jnp.float32)] * _NBUF),
            *([pltpu.SemaphoreType.DMA] * (2 * _NBUF)),
        ],
    )(table, batch2d)


def kernel(batch, table):
    b, l = batch.shape
    d = table.shape[1]
    if batch.dtype != jnp.int32:
        batch = batch.astype(jnp.int32)
    return _lookup(batch, table, b, l, d)

# --- scband reference (transcript-rebuilt; emitter-appended) ---
"""Pipeline reference for scband-embedding-vectorizer-44186623542055 (READ-ONLY COPY).

The authoritative reference and input builder live on the scoring server;
editing this copy changes nothing except your own understanding.
"""

import jax, jax.numpy as jnp
import numpy as np

NUM_EMBEDDINGS = 100000
EMBEDDING_DIM = 128
BATCH = 1024
SENT_LEN = 200

def setup_inputs(seed: int = 0) -> dict:
    key = jax.random.key(seed)
    k_idx, k_tab = jax.random.split(key)
    batch = jax.random.randint(k_idx, (BATCH, SENT_LEN), 0, NUM_EMBEDDINGS, dtype=jnp.int64 if jax.config.jax_enable_x64 else jnp.int32)
    table = jax.random.normal(k_tab, (NUM_EMBEDDINGS, EMBEDDING_DIM), dtype=jnp.float32)
    return {"batch": batch, "table": table}

def reference(batch, table):
    # EmbeddingVectorizer.forward: flatten nested batch, embed, reshape to [B, L, D]
    batch_size = batch.shape[0]
    sent_len = batch.shape[1]
    flatten = batch.reshape(-1)
    emb = jnp.take(table, flatten, axis=0)
    return emb.reshape(batch_size, sent_len, -1)

if __name__ == "__main__":
    import jax
    _d = setup_inputs()
    print(jax.jit(kernel)(*tuple(_d.values())))

</pallas_src>

<mosaic_0001>
#map = affine_map<(d0, d1) -> (0, 0)>
#map1 = affine_map<(d0, d1) -> (0, 0, 0)>
module attributes {stable_mosaic.version = 14 : i64} {
  func.func @_gather_body(%arg0: i32, %arg1: i32, %arg2: memref<100000x128xf32, #tpu.memory_space<hbm>>, %arg3: memref<1024x200xi32, #tpu.memory_space<hbm>>, %arg4: memref<1024x200x128xf32, #tpu.memory_space<hbm>>, %arg5: memref<200xi32, #tpu.memory_space<vmem>>, %arg6: memref<200xi32, #tpu.memory_space<vmem>>, %arg7: memref<200xi32, #tpu.memory_space<vmem>>, %arg8: memref<200xi32, #tpu.memory_space<vmem>>, %arg9: memref<200x128xf32, #tpu.memory_space<vmem>>, %arg10: memref<200x128xf32, #tpu.memory_space<vmem>>, %arg11: memref<200x128xf32, #tpu.memory_space<vmem>>, %arg12: memref<200x128xf32, #tpu.memory_space<vmem>>, %arg13: memref<!tpu.dma_semaphore, #tpu.memory_space<semaphore_mem>>, %arg14: memref<!tpu.dma_semaphore, #tpu.memory_space<semaphore_mem>>, %arg15: memref<!tpu.dma_semaphore, #tpu.memory_space<semaphore_mem>>, %arg16: memref<!tpu.dma_semaphore, #tpu.memory_space<semaphore_mem>>, %arg17: memref<!tpu.dma_semaphore, #tpu.memory_space<semaphore_mem>>, %arg18: memref<!tpu.dma_semaphore, #tpu.memory_space<semaphore_mem>>, %arg19: memref<!tpu.dma_semaphore, #tpu.memory_space<semaphore_mem>>, %arg20: memref<!tpu.dma_semaphore, #tpu.memory_space<semaphore_mem>>) attributes {dimension_semantics = [#tpu.dimension_semantics<core_parallel>, #tpu.dimension_semantics<subcore_parallel>], iteration_bounds = array<i64: 2, 16>, scalar_prefetch = 0 : i64, scratch_operands = 16 : i64, tpu.core_type = #tpu.core_type<sc_vector_subcore>, window_params = [{transform_indices = #map}, {transform_indices = #map}, {transform_indices = #map1}]} {
    %mul3A = arith.constant 2 : i32
    %mul3A_0 = arith.muli %arg1, %mul3A : i32
    %add3A = arith.addi %mul3A_0, %arg0 : i32
    %mul3A_1 = arith.constant 32 : i32
    %mul3A_2 = arith.muli %add3A, %mul3A_1 : i32
    %add3A_3 = arith.constant 0 : i32
    %add3A_4 = arith.addi %mul3A_2, %add3A_3 : i32
    "tpu.region"() ({
      %run_scoped3A = tpu.sem_alloc : memref<!tpu.dma_semaphore, #tpu.memory_space<semaphore_mem>>
      %dma_start3A_230 = arith.constant 0 : i32
      %dma_start3A_231 = tpu.memref_slice %arg3[%add3A_4, %dma_start3A_230] : memref<1024x200xi32, #tpu.memory_space<hbm>> -> memref<1x200xi32, #tpu.memory_space<hbm>>
      %dma_start3A_232 = tpu.memref_squeeze %dma_start3A_231 : memref<1x200xi32, #tpu.memory_space<hbm>> -> memref<200xi32, #tpu.memory_space<hbm>>
      %dma_start3A_233 = arith.constant 0 : i32
      %dma_start3A_234 = tpu.memref_slice %arg3[%add3A_4, %dma_start3A_233] : memref<1024x200xi32, #tpu.memory_space<hbm>> -> memref<1x200xi32, #tpu.memory_space<hbm>>
      %dma_start3A_235 = tpu.memref_squeeze %dma_start3A_234 : memref<1x200xi32, #tpu.memory_space<hbm>> -> memref<200xi32, #tpu.memory_space<hbm>>
      tpu.enqueue_dma source(%dma_start3A_235 : memref<200xi32, #tpu.memory_space<hbm>>) target(%arg5 : memref<200xi32, #tpu.memory_space<vmem>>) target_semaphore(%run_scoped3A : memref<!tpu.dma_semaphore, #tpu.memory_space<semaphore_mem>>)
      %dma_wait3A_236 = arith.constant 0 : i32
      %dma_wait3A_237 = tpu.memref_slice %arg3[%add3A_4, %dma_wait3A_236] : memref<1024x200xi32, #tpu.memory_space<hbm>> -> memref<1x200xi32, #tpu.memory_space<hbm>>
      %dma_wait3A_238 = tpu.memref_squeeze %dma_wait3A_237 : memref<1x200xi32, #tpu.memory_space<hbm>> -> memref<200xi32, #tpu.memory_space<hbm>>
      %dma_wait3A_239 = arith.constant 0 : i32
      %dma_wait3A_240 = tpu.memref_slice %arg3[%add3A_4, %dma_wait3A_239] : memref<1024x200xi32, #tpu.memory_space<hbm>> -> memref<1x200xi32, #tpu.memory_space<hbm>>
      %dma_wait3A_241 = tpu.memref_squeeze %dma_wait3A_240 : memref<1x200xi32, #tpu.memory_space<hbm>> -> memref<200xi32, #tpu.memory_space<hbm>>
      tpu.wait_dma2 semaphore(%run_scoped3A : memref<!tpu.dma_semaphore, #tpu.memory_space<semaphore_mem>>) src(%dma_wait3A_241 : memref<200xi32, #tpu.memory_space<hbm>>) dst(%arg5 : memref<200xi32, #tpu.memory_space<vmem>>)
      tpu.yield
    }) : () -> ()
    %dma_start3A = arith.constant 0 : i32
    %dma_start3A_5 = arith.constant 0 : i32
    %dma_start3A_6 = tpu.memref_slice %arg2[%dma_start3A, %dma_start3A_5] : memref<100000x128xf32, #tpu.memory_space<hbm>> -> memref<100000x128xf32, #tpu.memory_space<hbm>>
    tpu.enqueue_indirect_dma source(%dma_start3A_6 : memref<100000x128xf32, #tpu.memory_space<hbm>>) target(%arg9 : memref<200x128xf32, #tpu.memory_space<vmem>>) offsets(%arg5 : memref<200xi32, #tpu.memory_space<vmem>>) semaphore(%arg13 : memref<!tpu.dma_semaphore, #tpu.memory_space<semaphore_mem>>)
    %add3A_7 = arith.constant 1 : i32
    %add3A_8 = arith.addi %mul3A_2, %add3A_7 : i32
    "tpu.region"() ({
      %run_scoped3A = tpu.sem_alloc : memref<!tpu.dma_semaphore, #tpu.memory_space<semaphore_mem>>
      %dma_start3A_230 = arith.constant 0 : i32
      %dma_start3A_231 = tpu.memref_slice %arg3[%add3A_8, %dma_start3A_230] : memref<1024x200xi32, #tpu.memory_space<hbm>> -> memref<1x200xi32, #tpu.memory_space<hbm>>
      %dma_start3A_232 = tpu.memref_squeeze %dma_start3A_231 : memref<1x200xi32, #tpu.memory_space<hbm>> -> memref<200xi32, #tpu.memory_space<hbm>>
      %dma_start3A_233 = arith.constant 0 : i32
      %dma_start3A_234 = tpu.memref_slice %arg3[%add3A_8, %dma_start3A_233] : memref<1024x200xi32, #tpu.memory_space<hbm>> -> memref<1x200xi32, #tpu.memory_space<hbm>>
      %dma_start3A_235 = tpu.memref_squeeze %dma_start3A_234 : memref<1x200xi32, #tpu.memory_space<hbm>> -> memref<200xi32, #tpu.memory_space<hbm>>
      tpu.enqueue_dma source(%dma_start3A_235 : memref<200xi32, #tpu.memory_space<hbm>>) target(%arg6 : memref<200xi32, #tpu.memory_space<vmem>>) target_semaphore(%run_scoped3A : memref<!tpu.dma_semaphore, #tpu.memory_space<semaphore_mem>>)
      %dma_wait3A_236 = arith.constant 0 : i32
      %dma_wait3A_237 = tpu.memref_slice %arg3[%add3A_8, %dma_wait3A_236] : memref<1024x200xi32, #tpu.memory_space<hbm>> -> memref<1x200xi32, #tpu.memory_space<hbm>>
      %dma_wait3A_238 = tpu.memref_squeeze %dma_wait3A_237 : memref<1x200xi32, #tpu.memory_space<hbm>> -> memref<200xi32, #tpu.memory_space<hbm>>
      %dma_wait3A_239 = arith.constant 0 : i32
      %dma_wait3A_240 = tpu.memref_slice %arg3[%add3A_8, %dma_wait3A_239] : memref<1024x200xi32, #tpu.memory_space<hbm>> -> memref<1x200xi32, #tpu.memory_space<hbm>>
      %dma_wait3A_241 = tpu.memref_squeeze %dma_wait3A_240 : memref<1x200xi32, #tpu.memory_space<hbm>> -> memref<200xi32, #tpu.memory_space<hbm>>
      tpu.wait_dma2 semaphore(%run_scoped3A : memref<!tpu.dma_semaphore, #tpu.memory_space<semaphore_mem>>) src(%dma_wait3A_241 : memref<200xi32, #tpu.memory_space<hbm>>) dst(%arg6 : memref<200xi32, #tpu.memory_space<vmem>>)
      tpu.yield
    }) : () -> ()
    %dma_start3A_9 = arith.constant 0 : i32
    %dma_start3A_10 = arith.constant 0 : i32
    %dma_start3A_11 = tpu.memref_slice %arg2[%dma_start3A_9, %dma_start3A_10] : memref<100000x128xf32, #tpu.memory_space<hbm>> -> memref<100000x128xf32, #tpu.memory_space<hbm>>
    tpu.enqueue_indirect_dma source(%dma_start3A_11 : memref<100000x128xf32, #tpu.memory_space<hbm>>) target(%arg10 : memref<200x128xf32, #tpu.memory_space<vmem>>) offsets(%arg6 : memref<200xi32, #tpu.memory_space<vmem>>) semaphore(%arg14 : memref<!tpu.dma_semaphore, #tpu.memory_space<semaphore_mem>>)
    %dma_wait3A = arith.constant 0 : i32
    %dma_wait3A_12 = arith.constant 0 : i32
    %dma_wait3A_13 = tpu.memref_slice %arg2[%dma_wait3A, %dma_wait3A_12] : memref<100000x128xf32, #tpu.memory_space<hbm>> -> memref<100000x128xf32, #tpu.memory_space<hbm>>
    tpu.wait_indirect_dma semaphore(%arg13 : memref<!tpu.dma_semaphore, #tpu.memory_space<semaphore_mem>>) src(%dma_wait3A_13 : memref<100000x128xf32, #tpu.memory_space<hbm>>) dst(%arg9 : memref<200x128xf32, #tpu.memory_space<vmem>>)
    %add3A_14 = arith.constant 0 : i32
    %add3A_15 = arith.addi %mul3A_2, %add3A_14 : i32
    %dma_start3A_16 = arith.constant 0 : i32
    %dma_start3A_17 = arith.constant 0 : i32
    %dma_start3A_18 = tpu.memref_slice %arg4[%add3A_15, %dma_start3A_16, %dma_start3A_17] : memref<1024x200x128xf32, #tpu.memory_space<hbm>> -> memref<1x200x128xf32, #tpu.memory_space<hbm>>
    %dma_start3A_19 = tpu.memref_squeeze %dma_start3A_18 : memref<1x200x128xf32, #tpu.memory_space<hbm>> -> memref<200x128xf32, #tpu.memory_space<hbm>>
    %dma_start3A_20 = arith.constant 0 : i32
    %dma_start3A_21 = arith.constant 0 : i32
    %dma_start3A_22 = tpu.memref_slice %arg4[%add3A_15, %dma_start3A_20, %dma_start3A_21] : memref<1024x200x128xf32, #tpu.memory_space<hbm>> -> memref<1x200x128xf32, #tpu.memory_space<hbm>>
    %dma_start3A_23 = tpu.memref_squeeze %dma_start3A_22 : memref<1x200x128xf32, #tpu.memory_space<hbm>> -> memref<200x128xf32, #tpu.memory_space<hbm>>
    tpu.enqueue_dma source(%arg9 : memref<200x128xf32, #tpu.memory_space<vmem>>) target(%dma_start3A_23 : memref<200x128xf32, #tpu.memory_space<hbm>>) target_semaphore(%arg17 : memref<!tpu.dma_semaphore, #tpu.memory_space<semaphore_mem>>)
    %add3A_24 = arith.constant 2 : i32
    %add3A_25 = arith.addi %mul3A_2, %add3A_24 : i32
    "tpu.region"() ({
      %run_scoped3A = tpu.sem_alloc : memref<!tpu.dma_semaphore, #tpu.memory_space<semaphore_mem>>
      %dma_start3A_230 = arith.constant 0 : i32
      %dma_start3A_231 = tpu.memref_slice %arg3[%add3A_25, %dma_start3A_230] : memref<1024x200xi32, #tpu.memory_space<hbm>> -> memref<1x200xi32, #tpu.memory_space<hbm>>
      %dma_start3A_232 = tpu.memref_squeeze %dma_start3A_231 : memref<1x200xi32, #tpu.memory_space<hbm>> -> memref<200xi32, #tpu.memory_space<hbm>>
      %dma_start3A_233 = arith.constant 0 : i32
      %dma_start3A_234 = tpu.memref_slice %arg3[%add3A_25, %dma_start3A_233] : memref<1024x200xi32, #tpu.memory_space<hbm>> -> memref<1x200xi32, #tpu.memory_space<hbm>>
      %dma_start3A_235 = tpu.memref_squeeze %dma_start3A_234 : memref<1x200xi32, #tpu.memory_space<hbm>> -> memref<200xi32, #tpu.memory_space<hbm>>
      tpu.enqueue_dma source(%dma_start3A_235 : memref<200xi32, #tpu.memory_space<hbm>>) target(%arg7 : memref<200xi32, #tpu.memory_space<vmem>>) target_semaphore(%run_scoped3A : memref<!tpu.dma_semaphore, #tpu.memory_space<semaphore_mem>>)
      %dma_wait3A_236 = arith.constant 0 : i32
      %dma_wait3A_237 = tpu.memref_slice %arg3[%add3A_25, %dma_wait3A_236] : memref<1024x200xi32, #tpu.memory_space<hbm>> -> memref<1x200xi32, #tpu.memory_space<hbm>>
      %dma_wait3A_238 = tpu.memref_squeeze %dma_wait3A_237 : memref<1x200xi32, #tpu.memory_space<hbm>> -> memref<200xi32, #tpu.memory_space<hbm>>
      %dma_wait3A_239 = arith.constant 0 : i32
      %dma_wait3A_240 = tpu.memref_slice %arg3[%add3A_25, %dma_wait3A_239] : memref<1024x200xi32, #tpu.memory_space<hbm>> -> memref<1x200xi32, #tpu.memory_space<hbm>>
      %dma_wait3A_241 = tpu.memref_squeeze %dma_wait3A_240 : memref<1x200xi32, #tpu.memory_space<hbm>> -> memref<200xi32, #tpu.memory_space<hbm>>
      tpu.wait_dma2 semaphore(%run_scoped3A : memref<!tpu.dma_semaphore, #tpu.memory_space<semaphore_mem>>) src(%dma_wait3A_241 : memref<200xi32, #tpu.memory_space<hbm>>) dst(%arg7 : memref<200xi32, #tpu.memory_space<vmem>>)
      tpu.yield
    }) : () -> ()
    %dma_start3A_26 = arith.constant 0 : i32
    %dma_start3A_27 = arith.constant 0 : i32
    %dma_start3A_28 = tpu.memref_slice %arg2[%dma_start3A_26, %dma_start3A_27] : memref<100000x128xf32, #tpu.memory_space<hbm>> -> memref<100000x128xf32, #tpu.memory_space<hbm>>
    tpu.enqueue_indirect_dma source(%dma_start3A_28 : memref<100000x128xf32, #tpu.memory_space<hbm>>) target(%arg11 : memref<200x128xf32, #tpu.memory_space<vmem>>) offsets(%arg7 : memref<200xi32, #tpu.memory_space<vmem>>) semaphore(%arg15 : memref<!tpu.dma_semaphore, #tpu.memory_space<semaphore_mem>>)
    %dma_wait3A_29 = arith.constant 0 : i32
    %dma_wait3A_30 = arith.constant 0 : i32
    %dma_wait3A_31 = tpu.memref_slice %arg2[%dma_wait3A_29, %dma_wait3A_30] : memref<100000x128xf32, #tpu.memory_space<hbm>> -> memref<100000x128xf32, #tpu.memory_space<hbm>>
    tpu.wait_indirect_dma semaphore(%arg14 : memref<!tpu.dma_semaphore, #tpu.memory_space<semaphore_mem>>) src(%dma_wait3A_31 : memref<100000x128xf32, #tpu.memory_space<hbm>>) dst(%arg10 : memref<200x128xf32, #tpu.memory_space<vmem>>)
    %add3A_32 = arith.constant 1 : i32
    %add3A_33 = arith.addi %mul3A_2, %add3A_32 : i32
    %dma_start3A_34 = arith.constant 0 : i32
    %dma_start3A_35 = arith.constant 0 : i32
    %dma_start3A_36 = tpu.memref_slice %arg4[%add3A_33, %dma_start3A_34, %dma_start3A_35] : memref<1024x200x128xf32, #tpu.memory_space<hbm>> -> memref<1x200x128xf32, #tpu.memory_space<hbm>>
    %dma_start3A_37 = tpu.memref_squeeze %dma_start3A_36 : memref<1x200x128xf32, #tpu.memory_space<hbm>> -> memref<200x128xf32, #tpu.memory_space<hbm>>
    %dma_start3A_38 = arith.constant 0 : i32
    %dma_start3A_39 = arith.constant 0 : i32
    %dma_start3A_40 = tpu.memref_slice %arg4[%add3A_33, %dma_start3A_38, %dma_start3A_39] : memref<1024x200x128xf32, #tpu.memory_space<hbm>> -> memref<1x200x128xf32, #tpu.memory_space<hbm>>
    %dma_start3A_41 = tpu.memref_squeeze %dma_start3A_40 : memref<1x200x128xf32, #tpu.memory_space<hbm>> -> memref<200x128xf32, #tpu.memory_space<hbm>>
    tpu.enqueue_dma source(%arg10 : memref<200x128xf32, #tpu.memory_space<vmem>>) target(%dma_start3A_41 : memref<200x128xf32, #tpu.memory_space<hbm>>) target_semaphore(%arg18 : memref<!tpu.dma_semaphore, #tpu.memory_space<semaphore_mem>>)
    %add3A_42 = arith.constant 3 : i32
    %add3A_43 = arith.addi %mul3A_2, %add3A_42 : i32
    "tpu.region"() ({
      %run_scoped3A = tpu.sem_alloc : memref<!tpu.dma_semaphore, #tpu.memory_space<semaphore_mem>>
      %dma_start3A_230 = arith.constant 0 : i32
      %dma_start3A_231 = tpu.memref_slice %arg3[%add3A_43, %dma_start3A_230] : memref<1024x200xi32, #tpu.memory_space<hbm>> -> memref<1x200xi32, #tpu.memory_space<hbm>>
      %dma_start3A_232 = tpu.memref_squeeze %dma_start3A_231 : memref<1x200xi32, #tpu.memory_space<hbm>> -> memref<200xi32, #tpu.memory_space<hbm>>
      %dma_start3A_233 = arith.constant 0 : i32
      %dma_start3A_234 = tpu.memref_slice %arg3[%add3A_43, %dma_start3A_233] : memref<1024x200xi32, #tpu.memory_space<hbm>> -> memref<1x200xi32, #tpu.memory_space<hbm>>
      %dma_start3A_235 = tpu.memref_squeeze %dma_start3A_234 : memref<1x200xi32, #tpu.memory_space<hbm>> -> memref<200xi32, #tpu.memory_space<hbm>>
      tpu.enqueue_dma source(%dma_start3A_235 : memref<200xi32, #tpu.memory_space<hbm>>) target(%arg8 : memref<200xi32, #tpu.memory_space<vmem>>) target_semaphore(%run_scoped3A : memref<!tpu.dma_semaphore, #tpu.memory_space<semaphore_mem>>)
      %dma_wait3A_236 = arith.constant 0 : i32
      %dma_wait3A_237 = tpu.memref_slice %arg3[%add3A_43, %dma_wait3A_236] : memref<1024x200xi32, #tpu.memory_space<hbm>> -> memref<1x200xi32, #tpu.memory_space<hbm>>
      %dma_wait3A_238 = tpu.memref_squeeze %dma_wait3A_237 : memref<1x200xi32, #tpu.memory_space<hbm>> -> memref<200xi32, #tpu.memory_space<hbm>>
      %dma_wait3A_239 = arith.constant 0 : i32
      %dma_wait3A_240 = tpu.memref_slice %arg3[%add3A_43, %dma_wait3A_239] : memref<1024x200xi32, #tpu.memory_space<hbm>> -> memref<1x200xi32, #tpu.memory_space<hbm>>
      %dma_wait3A_241 = tpu.memref_squeeze %dma_wait3A_240 : memref<1x200xi32, #tpu.memory_space<hbm>> -> memref<200xi32, #tpu.memory_space<hbm>>
      tpu.wait_dma2 semaphore(%run_scoped3A : memref<!tpu.dma_semaphore, #tpu.memory_space<semaphore_mem>>) src(%dma_wait3A_241 : memref<200xi32, #tpu.memory_space<hbm>>) dst(%arg8 : memref<200xi32, #tpu.memory_space<vmem>>)
      tpu.yield
    }) : () -> ()
    %dma_start3A_44 = arith.constant 0 : i32
    %dma_start3A_45 = arith.constant 0 : i32
    %dma_start3A_46 = tpu.memref_slice %arg2[%dma_start3A_44, %dma_start3A_45] : memref<100000x128xf32, #tpu.memory_space<hbm>> -> memref<100000x128xf32, #tpu.memory_space<hbm>>
    tpu.enqueue_indirect_dma source(%dma_start3A_46 : memref<100000x128xf32, #tpu.memory_space<hbm>>) target(%arg12 : memref<200x128xf32, #tpu.memory_space<vmem>>) offsets(%arg8 : memref<200xi32, #tpu.memory_space<vmem>>) semaphore(%arg16 : memref<!tpu.dma_semaphore, #tpu.memory_space<semaphore_mem>>)
    %dma_wait3A_47 = arith.constant 0 : i32
    %dma_wait3A_48 = arith.constant 0 : i32
    %dma_wait3A_49 = tpu.memref_slice %arg2[%dma_wait3A_47, %dma_wait3A_48] : memref<100000x128xf32, #tpu.memory_space<hbm>> -> memref<100000x128xf32, #tpu.memory_space<hbm>>
    tpu.wait_indirect_dma semaphore(%arg15 : memref<!tpu.dma_semaphore, #tpu.memory_space<semaphore_mem>>) src(%dma_wait3A_49 : memref<100000x128xf32, #tpu.memory_space<hbm>>) dst(%arg11 : memref<200x128xf32, #tpu.memory_space<vmem>>)
    %add3A_50 = arith.constant 2 : i32
    %add3A_51 = arith.addi %mul3A_2, %add3A_50 : i32
    %dma_start3A_52 = arith.constant 0 : i32
    %dma_start3A_53 = arith.constant 0 : i32
    %dma_start3A_54 = tpu.memref_slice %arg4[%add3A_51, %dma_start3A_52, %dma_start3A_53] : memref<1024x200x128xf32, #tpu.memory_space<hbm>> -> memref<1x200x128xf32, #tpu.memory_space<hbm>>
    %dma_start3A_55 = tpu.memref_squeeze %dma_start3A_54 : memref<1x200x128xf32, #tpu.memory_space<hbm>> -> memref<200x128xf32, #tpu.memory_space<hbm>>
    %dma_start3A_56 = arith.constant 0 : i32
    %dma_start3A_57 = arith.constant 0 : i32
    %dma_start3A_58 = tpu.memref_slice %arg4[%add3A_51, %dma_start3A_56, %dma_start3A_57] : memref<1024x200x128xf32, #tpu.memory_space<hbm>> -> memref<1x200x128xf32, #tpu.memory_space<hbm>>
    %dma_start3A_59 = tpu.memref_squeeze %dma_start3A_58 : memref<1x200x128xf32, #tpu.memory_space<hbm>> -> memref<200x128xf32, #tpu.memory_space<hbm>>
    tpu.enqueue_dma source(%arg11 : memref<200x128xf32, #tpu.memory_space<vmem>>) target(%dma_start3A_59 : memref<200x128xf32, #tpu.memory_space<hbm>>) target_semaphore(%arg19 : memref<!tpu.dma_semaphore, #tpu.memory_space<semaphore_mem>>)
    %add3A_60 = arith.constant 0 : i32
    %add3A_61 = arith.addi %mul3A_2, %add3A_60 : i32
    %dma_wait3A_62 = arith.constant 0 : i32
    %dma_wait3A_63 = arith.constant 0 : i32
    %dma_wait3A_64 = tpu.memref_slice %arg4[%add3A_61, %dma_wait3A_62, %dma_wait3A_63] : memref<1024x200x128xf32, #tpu.memory_space<hbm>> -> memref<1x200x128xf32, #tpu.memory_space<hbm>>
    %dma_wait3A_65 = tpu.memref_squeeze %dma_wait3A_64 : memref<1x200x128xf32, #tpu.memory_space<hbm>> -> memref<200x128xf32, #tpu.memory_space<hbm>>
    %dma_wait3A_66 = arith.constant 0 : i32
    %dma_wait3A_67 = arith.constant 0 : i32
    %dma_wait3A_68 = tpu.memref_slice %arg4[%add3A_61, %dma_wait3A_66, %dma_wait3A_67] : memref<1024x200x128xf32, #tpu.memory_space<hbm>> -> memref<1x200x128xf32, #tpu.memory_space<hbm>>
    %dma_wait3A_69 = tpu.memref_squeeze %dma_wait3A_68 : memref<1x200x128xf32, #tpu.memory_space<hbm>> -> memref<200x128xf32, #tpu.memory_space<hbm>>
    tpu.wait_dma2 semaphore(%arg17 : memref<!tpu.dma_semaphore, #tpu.memory_space<semaphore_mem>>) src(%arg9 : memref<200x128xf32, #tpu.memory_space<vmem>>) dst(%dma_wait3A_69 : memref<200x128xf32, #tpu.memory_space<hbm>>)
    %add3A_70 = arith.constant 4 : i32
    %add3A_71 = arith.addi %mul3A_2, %add3A_70 : i32
    "tpu.region"() ({
      %run_scoped3A = tpu.sem_alloc : memref<!tpu.dma_semaphore, #tpu.memory_space<semaphore_mem>>
      %dma_start3A_230 = arith.constant 0 : i32
      %dma_start3A_231 = tpu.memref_slice %arg3[%add3A_71, %dma_start3A_230] : memref<1024x200xi32, #tpu.memory_space<hbm>> -> memref<1x200xi32, #tpu.memory_space<hbm>>
      %dma_start3A_232 = tpu.memref_squeeze %dma_start3A_231 : memref<1x200xi32, #tpu.memory_space<hbm>> -> memref<200xi32, #tpu.memory_space<hbm>>
      %dma_start3A_233 = arith.constant 0 : i32
      %dma_start3A_234 = tpu.memref_slice %arg3[%add3A_71, %dma_start3A_233] : memref<1024x200xi32, #tpu.memory_space<hbm>> -> memref<1x200xi32, #tpu.memory_space<hbm>>
      %dma_start3A_235 = tpu.memref_squeeze %dma_start3A_234 : memref<1x200xi32, #tpu.memory_space<hbm>> -> memref<200xi32, #tpu.memory_space<hbm>>
      tpu.enqueue_dma source(%dma_start3A_235 : memref<200xi32, #tpu.memory_space<hbm>>) target(%arg5 : memref<200xi32, #tpu.memory_space<vmem>>) target_semaphore(%run_scoped3A : memref<!tpu.dma_semaphore, #tpu.memory_space<semaphore_mem>>)
      %dma_wait3A_236 = arith.constant 0 : i32
      %dma_wait3A_237 = tpu.memref_slice %arg3[%add3A_71, %dma_wait3A_236] : memref<1024x200xi32, #tpu.memory_space<hbm>> -> memref<1x200xi32, #tpu.memory_space<hbm>>
      %dma_wait3A_238 = tpu.memref_squeeze %dma_wait3A_237 : memref<1x200xi32, #tpu.memory_space<hbm>> -> memref<200xi32, #tpu.memory_space<hbm>>
      %dma_wait3A_239 = arith.constant 0 : i32
      %dma_wait3A_240 = tpu.memref_slice %arg3[%add3A_71, %dma_wait3A_239] : memref<1024x200xi32, #tpu.memory_space<hbm>> -> memref<1x200xi32, #tpu.memory_space<hbm>>
      %dma_wait3A_241 = tpu.memref_squeeze %dma_wait3A_240 : memref<1x200xi32, #tpu.memory_space<hbm>> -> memref<200xi32, #tpu.memory_space<hbm>>
      tpu.wait_dma2 semaphore(%run_scoped3A : memref<!tpu.dma_semaphore, #tpu.memory_space<semaphore_mem>>) src(%dma_wait3A_241 : memref<200xi32, #tpu.memory_space<hbm>>) dst(%arg5 : memref<200xi32, #tpu.memory_space<vmem>>)
      tpu.yield
    }) : () -> ()
    %dma_start3A_72 = arith.constant 0 : i32
    %dma_start3A_73 = arith.constant 0 : i32
    %dma_start3A_74 = tpu.memref_slice %arg2[%dma_start3A_72, %dma_start3A_73] : memref<100000x128xf32, #tpu.memory_space<hbm>> -> memref<100000x128xf32, #tpu.memory_space<hbm>>
    tpu.enqueue_indirect_dma source(%dma_start3A_74 : memref<100000x128xf32, #tpu.memory_space<hbm>>) target(%arg9 : memref<200x128xf32, #tpu.memory_space<vmem>>) offsets(%arg5 : memref<200xi32, #tpu.memory_space<vmem>>) semaphore(%arg13 : memref<!tpu.dma_semaphore, #tpu.memory_space<semaphore_mem>>)
    %dma_wait3A_75 = arith.constant 0 : i32
    %dma_wait3A_76 = arith.constant 0 : i32
    %dma_wait3A_77 = tpu.memref_slice %arg2[%dma_wait3A_75, %dma_wait3A_76] : memref<100000x128xf32, #tpu.memory_space<hbm>> -> memref<100000x128xf32, #tpu.memory_space<hbm>>
    tpu.wait_indirect_dma semaphore(%arg16 : memref<!tpu.dma_semaphore, #tpu.memory_space<semaphore_mem>>) src(%dma_wait3A_77 : memref<100000x128xf32, #tpu.memory_space<hbm>>) dst(%arg12 : memref<200x128xf32, #tpu.memory_space<vmem>>)
    %add3A_78 = arith.constant 3 : i32
    %add3A_79 = arith.addi %mul3A_2, %add3A_78 : i32
    %dma_start3A_80 = arith.constant 0 : i32
    %dma_start3A_81 = arith.constant 0 : i32
    %dma_start3A_82 = tpu.memref_slice %arg4[%add3A_79, %dma_start3A_80, %dma_start3A_81] : memref<1024x200x128xf32, #tpu.memory_space<hbm>> -> memref<1x200x128xf32, #tpu.memory_space<hbm>>
    %dma_start3A_83 = tpu.memref_squeeze %dma_start3A_82 : memref<1x200x128xf32, #tpu.memory_space<hbm>> -> memref<200x128xf32, #tpu.memory_space<hbm>>
    %dma_start3A_84 = arith.constant 0 : i32
    %dma_start3A_85 = arith.constant 0 : i32
    %dma_start3A_86 = tpu.memref_slice %arg4[%add3A_79, %dma_start3A_84, %dma_start3A_85] : memref<1024x200x128xf32, #tpu.memory_space<hbm>> -> memref<1x200x128xf32, #tpu.memory_space<hbm>>
    %dma_start3A_87 = tpu.memref_squeeze %dma_start3A_86 : memref<1x200x128xf32, #tpu.memory_space<hbm>> -> memref<200x128xf32, #tpu.memory_space<hbm>>
    tpu.enqueue_dma source(%arg12 : memref<200x128xf32, #tpu.memory_space<vmem>>) target(%dma_start3A_87 : memref<200x128xf32, #tpu.memory_space<hbm>>) target_semaphore(%arg20 : memref<!tpu.dma_semaphore, #tpu.memory_space<semaphore_mem>>)
    %add3A_88 = arith.constant 1 : i32
    %add3A_89 = arith.addi %mul3A_2, %add3A_88 : i32
    %dma_wait3A_90 = arith.constant 0 : i32
    %dma_wait3A_91 = arith.constant 0 : i32
    %dma_wait3A_92 = tpu.memref_slice %arg4[%add3A_89, %dma_wait3A_90, %dma_wait3A_91] : memref<1024x200x128xf32, #tpu.memory_space<hbm>> -> memref<1x200x128xf32, #tpu.memory_space<hbm>>
    %dma_wait3A_93 = tpu.memref_squeeze %dma_wait3A_92 : memref<1x200x128xf32, #tpu.memory_space<hbm>> -> memref<200x128xf32, #tpu.memory_space<hbm>>
    %dma_wait3A_94 = arith.constant 0 : i32
    %dma_wait3A_95 = arith.constant 0 : i32
    %dma_wait3A_96 = tpu.memref_slice %arg4[%add3A_89, %dma_wait3A_94, %dma_wait3A_95] : memref<1024x200x128xf32, #tpu.memory_space<hbm>> -> memref<1x200x128xf32, #tpu.memory_space<hbm>>
    %dma_wait3A_97 = tpu.memref_squeeze %dma_wait3A_96 : memref<1x200x128xf32, #tpu.memory_space<hbm>> -> memref<200x128xf32, #tpu.memory_space<hbm>>
    tpu.wait_dma2 semaphore(%arg18 : memref<!tpu.dma_semaphore, #tpu.memory_space<semaphore_mem>>) src(%arg10 : memref<200x128xf32, #tpu.memory_space<vmem>>) dst(%dma_wait3A_97 : memref<200x128xf32, #tpu.memory_space<hbm>>)
    %add3A_98 = arith.constant 5 : i32
    %add3A_99 = arith.addi %mul3A_2, %add3A_98 : i32
    "tpu.region"() ({
      %run_scoped3A = tpu.sem_alloc : memref<!tpu.dma_semaphore, #tpu.memory_space<semaphore_mem>>
      %dma_start3A_230 = arith.constant 0 : i32
      %dma_start3A_231 = tpu.memref_slice %arg3[%add3A_99, %dma_start3A_230] : memref<1024x200xi32, #tpu.memory_space<hbm>> -> memref<1x200xi32, #tpu.memory_space<hbm>>
      %dma_start3A_232 = tpu.memref_squeeze %dma_start3A_231 : memref<1x200xi32, #tpu.memory_space<hbm>> -> memref<200xi32, #tpu.memory_space<hbm>>
      %dma_start3A_233 = arith.constant 0 : i32
      %dma_start3A_234 = tpu.memref_slice %arg3[%add3A_99, %dma_start3A_233] : memref<1024x200xi32, #tpu.memory_space<hbm>> -> memref<1x200xi32, #tpu.memory_space<hbm>>
      %dma_start3A_235 = tpu.memref_squeeze %dma_start3A_234 : memref<1x200xi32, #tpu.memory_space<hbm>> -> memref<200xi32, #tpu.memory_space<hbm>>
      tpu.enqueue_dma source(%dma_start3A_235 : memref<200xi32, #tpu.memory_space<hbm>>) target(%arg6 : memref<200xi32, #tpu.memory_space<vmem>>) target_semaphore(%run_scoped3A : memref<!tpu.dma_semaphore, #tpu.memory_space<semaphore_mem>>)
      %dma_wait3A_236 = arith.constant 0 : i32
      %dma_wait3A_237 = tpu.memref_slice %arg3[%add3A_99, %dma_wait3A_236] : memref<1024x200xi32, #tpu.memory_space<hbm>> -> memref<1x200xi32, #tpu.memory_space<hbm>>
      %dma_wait3A_238 = tpu.memref_squeeze %dma_wait3A_237 : memref<1x200xi32, #tpu.memory_space<hbm>> -> memref<200xi32, #tpu.memory_space<hbm>>
      %dma_wait3A_239 = arith.constant 0 : i32
      %dma_wait3A_240 = tpu.memref_slice %arg3[%add3A_99, %dma_wait3A_239] : memref<1024x200xi32, #tpu.memory_space<hbm>> -> memref<1x200xi32, #tpu.memory_space<hbm>>
      %dma_wait3A_241 = tpu.memref_squeeze %dma_wait3A_240 : memref<1x200xi32, #tpu.memory_space<hbm>> -> memref<200xi32, #tpu.memory_space<hbm>>
      tpu.wait_dma2 semaphore(%run_scoped3A : memref<!tpu.dma_semaphore, #tpu.memory_space<semaphore_mem>>) src(%dma_wait3A_241 : memref<200xi32, #tpu.memory_space<hbm>>) dst(%arg6 : memref<200xi32, #tpu.memory_space<vmem>>)
      tpu.yield
    }) : () -> ()
    %dma_start3A_100 = arith.constant 0 : i32
    %dma_start3A_101 = arith.constant 0 : i32
    %dma_start3A_102 = tpu.memref_slice %arg2[%dma_start3A_100, %dma_start3A_101] : memref<100000x128xf32, #tpu.memory_space<hbm>> -> memref<100000x128xf32, #tpu.memory_space<hbm>>
    tpu.enqueue_indirect_dma source(%dma_start3A_102 : memref<100000x128xf32, #tpu.memory_space<hbm>>) target(%arg10 : memref<200x128xf32, #tpu.memory_space<vmem>>) offsets(%arg6 : memref<200xi32, #tpu.memory_space<vmem>>) semaphore(%arg14 : memref<!tpu.dma_semaphore, #tpu.memory_space<semaphore_mem>>)
    %scan3A = arith.constant 0 : i32
    %scan3A_103 = arith.constant 1 : i32
    %scan3A_104 = arith.constant 6 : i32
    %scan3A_105 = arith.addi %scan3A_103, %scan3A_104 : i32
    %scan3A_106 = arith.constant 1 : i32
    scf.for %scan3A_230 = %scan3A_103 to %scan3A_105 step %scan3A_106  : i32 {
      %mul3A_231 = arith.constant 4 : i32
      %mul3A_232 = arith.muli %scan3A_230, %mul3A_231 : i32
      %add3A_233 = arith.constant 0 : i32
      %add3A_234 = arith.addi %mul3A_232, %add3A_233 : i32
      %dma_wait3A_235 = arith.constant 0 : i32
      %dma_wait3A_236 = arith.constant 0 : i32
      %dma_wait3A_237 = tpu.memref_slice %arg2[%dma_wait3A_235, %dma_wait3A_236] : memref<100000x128xf32, #tpu.memory_space<hbm>> -> memref<100000x128xf32, #tpu.memory_space<hbm>>
      tpu.wait_indirect_dma semaphore(%arg13 : memref<!tpu.dma_semaphore, #tpu.memory_space<semaphore_mem>>) src(%dma_wait3A_237 : memref<100000x128xf32, #tpu.memory_space<hbm>>) dst(%arg9 : memref<200x128xf32, #tpu.memory_space<vmem>>)
      %add3A_238 = arith.addi %mul3A_2, %add3A_234 : i32
      %dma_start3A_239 = arith.constant 0 : i32
      %dma_start3A_240 = arith.constant 0 : i32
      %dma_start3A_241 = tpu.memref_slice %arg4[%add3A_238, %dma_start3A_239, %dma_start3A_240] : memref<1024x200x128xf32, #tpu.memory_space<hbm>> -> memref<1x200x128xf32, #tpu.memory_space<hbm>>
      %dma_start3A_242 = tpu.memref_squeeze %dma_start3A_241 : memref<1x200x128xf32, #tpu.memory_space<hbm>> -> memref<200x128xf32, #tpu.memory_space<hbm>>
      %dma_start3A_243 = arith.constant 0 : i32
      %dma_start3A_244 = arith.constant 0 : i32
      %dma_start3A_245 = tpu.memref_slice %arg4[%add3A_238, %dma_start3A_243, %dma_start3A_244] : memref<1024x200x128xf32, #tpu.memory_space<hbm>> -> memref<1x200x128xf32, #tpu.memory_space<hbm>>
      %dma_start3A_246 = tpu.memref_squeeze %dma_start3A_245 : memref<1x200x128xf32, #tpu.memory_space<hbm>> -> memref<200x128xf32, #tpu.memory_space<hbm>>
      tpu.enqueue_dma source(%arg9 : memref<200x128xf32, #tpu.memory_space<vmem>>) target(%dma_start3A_246 : memref<200x128xf32, #tpu.memory_space<hbm>>) target_semaphore(%arg17 : memref<!tpu.dma_semaphore, #tpu.memory_space<semaphore_mem>>)
      %sub3A = arith.constant 2 : i32
      %sub3A_247 = arith.subi %add3A_234, %sub3A : i32
      %add3A_248 = arith.addi %mul3A_2, %sub3A_247 : i32
      %dma_wait3A_249 = arith.constant 0 : i32
      %dma_wait3A_250 = arith.constant 0 : i32
      %dma_wait3A_251 = tpu.memref_slice %arg4[%add3A_248, %dma_wait3A_249, %dma_wait3A_250] : memref<1024x200x128xf32, #tpu.memory_space<hbm>> -> memref<1x200x128xf32, #tpu.memory_space<hbm>>
      %dma_wait3A_252 = tpu.memref_squeeze %dma_wait3A_251 : memref<1x200x128xf32, #tpu.memory_space<hbm>> -> memref<200x128xf32, #tpu.memory_space<hbm>>
      %dma_wait3A_253 = arith.constant 0 : i32
      %dma_wait3A_254 = arith.constant 0 : i32
      %dma_wait3A_255 = tpu.memref_slice %arg4[%add3A_248, %dma_wait3A_253, %dma_wait3A_254] : memref<1024x200x128xf32, #tpu.memory_space<hbm>> -> memref<1x200x128xf32, #tpu.memory_space<hbm>>
      %dma_wait3A_256 = tpu.memref_squeeze %dma_wait3A_255 : memref<1x200x128xf32, #tpu.memory_space<hbm>> -> memref<200x128xf32, #tpu.memory_space<hbm>>
      tpu.wait_dma2 semaphore(%arg19 : memref<!tpu.dma_semaphore, #tpu.memory_space<semaphore_mem>>) src(%arg11 : memref<200x128xf32, #tpu.memory_space<vmem>>) dst(%dma_wait3A_256 : memref<200x128xf32, #tpu.memory_space<hbm>>)
      %add3A_257 = arith.constant 2 : i32
      %add3A_258 = arith.addi %add3A_234, %add3A_257 : i32
      %add3A_259 = arith.addi %mul3A_2, %add3A_258 : i32
      "tpu.region"() ({
        %run_scoped3A = tpu.sem_alloc : memref<!tpu.dma_semaphore, #tpu.memory_space<semaphore_mem>>
        %dma_start3A_362 = arith.constant 0 : i32
        %dma_start3A_363 = tpu.memref_slice %arg3[%add3A_259, %dma_start3A_362] : memref<1024x200xi32, #tpu.memory_space<hbm>> -> memref<1x200xi32, #tpu.memory_space<hbm>>
        %dma_start3A_364 = tpu.memref_squeeze %dma_start3A_363 : memref<1x200xi32, #tpu.memory_space<hbm>> -> memref<200xi32, #tpu.memory_space<hbm>>
        %dma_start3A_365 = arith.constant 0 : i32
        %dma_start3A_366 = tpu.memref_slice %arg3[%add3A_259, %dma_start3A_365] : memref<1024x200xi32, #tpu.memory_space<hbm>> -> memref<1x200xi32, #tpu.memory_space<hbm>>
        %dma_start3A_367 = tpu.memref_squeeze %dma_start3A_366 : memref<1x200xi32, #tpu.memory_space<hbm>> -> memref<200xi32, #tpu.memory_space<hbm>>
        tpu.enqueue_dma source(%dma_start3A_367 : memref<200xi32, #tpu.memory_space<hbm>>) target(%arg7 : memref<200xi32, #tpu.memory_space<vmem>>) target_semaphore(%run_scoped3A : memref<!tpu.dma_semaphore, #tpu.memory_space<semaphore_mem>>)
        %dma_wait3A_368 = arith.constant 0 : i32
        %dma_wait3A_369 = tpu.memref_slice %arg3[%add3A_259, %dma_wait3A_368] : memref<1024x200xi32, #tpu.memory_space<hbm>> -> memref<1x200xi32, #tpu.memory_space<hbm>>
        %dma_wait3A_370 = tpu.memref_squeeze %dma_wait3A_369 : memref<1x200xi32, #tpu.memory_space<hbm>> -> memref<200xi32, #tpu.memory_space<hbm>>
        %dma_wait3A_371 = arith.constant 0 : i32
        %dma_wait3A_372 = tpu.memref_slice %arg3[%add3A_259, %dma_wait3A_371] : memref<1024x200xi32, #tpu.memory_space<hbm>> -> memref<1x200xi32, #tpu.memory_space<hbm>>
        %dma_wait3A_373 = tpu.memref_squeeze %dma_wait3A_372 : memref<1x200xi32, #tpu.memory_space<hbm>> -> memref<200xi32, #tpu.memory_space<hbm>>
        tpu.wait_dma2 semaphore(%run_scoped3A : memref<!tpu.dma_semaphore, #tpu.memory_space<semaphore_mem>>) src(%dma_wait3A_373 : memref<200xi32, #tpu.memory_space<hbm>>) dst(%arg7 : memref<200xi32, #tpu.memory_space<vmem>>)
        tpu.yield
      }) : () -> ()
      %dma_start3A_260 = arith.constant 0 : i32
      %dma_start3A_261 = arith.constant 0 : i32
      %dma_start3A_262 = tpu.memref_slice %arg2[%dma_start3A_260, %dma_start3A_261] : memref<100000x128xf32, #tpu.memory_space<hbm>> -> memref<100000x128xf32, #tpu.memory_space<hbm>>
      tpu.enqueue_indirect_dma source(%dma_start3A_262 : memref<100000x128xf32, #tpu.memory_space<hbm>>) target(%arg11 : memref<200x128xf32, #tpu.memory_space<vmem>>) offsets(%arg7 : memref<200xi32, #tpu.memory_space<vmem>>) semaphore(%arg15 : memref<!tpu.dma_semaphore, #tpu.memory_space<semaphore_mem>>)
      %mul3A_263 = arith.constant 4 : i32
      %mul3A_264 = arith.muli %scan3A_230, %mul3A_263 : i32
      %add3A_265 = arith.constant 1 : i32
      %add3A_266 = arith.addi %mul3A_264, %add3A_265 : i32
      %dma_wait3A_267 = arith.constant 0 : i32
      %dma_wait3A_268 = arith.constant 0 : i32
      %dma_wait3A_269 = tpu.memref_slice %arg2[%dma_wait3A_267, %dma_wait3A_268] : memref<100000x128xf32, #tpu.memory_space<hbm>> -> memref<100000x128xf32, #tpu.memory_space<hbm>>
      tpu.wait_indirect_dma semaphore(%arg14 : memref<!tpu.dma_semaphore, #tpu.memory_space<semaphore_mem>>) src(%dma_wait3A_269 : memref<100000x128xf32, #tpu.memory_space<hbm>>) dst(%arg10 : memref<200x128xf32, #tpu.memory_space<vmem>>)
      %add3A_270 = arith.addi %mul3A_2, %add3A_266 : i32
      %dma_start3A_271 = arith.constant 0 : i32
      %dma_start3A_272 = arith.constant 0 : i32
      %dma_start3A_273 = tpu.memref_slice %arg4[%add3A_270, %dma_start3A_271, %dma_start3A_272] : memref<1024x200x128xf32, #tpu.memory_space<hbm>> -> memref<1x200x128xf32, #tpu.memory_space<hbm>>
      %dma_start3A_274 = tpu.memref_squeeze %dma_start3A_273 : memref<1x200x128xf32, #tpu.memory_space<hbm>> -> memref<200x128xf32, #tpu.memory_space<hbm>>
      %dma_start3A_275 = arith.constant 0 : i32
      %dma_start3A_276 = arith.constant 0 : i32
      %dma_start3A_277 = tpu.memref_slice %arg4[%add3A_270, %dma_start3A_275, %dma_start3A_276] : memref<1024x200x128xf32, #tpu.memory_space<hbm>> -> memref<1x200x128xf32, #tpu.memory_space<hbm>>
      %dma_start3A_278 = tpu.memref_squeeze %dma_start3A_277 : memref<1x200x128xf32, #tpu.memory_space<hbm>> -> memref<200x128xf32, #tpu.memory_space<hbm>>
      tpu.enqueue_dma source(%arg10 : memref<200x128xf32, #tpu.memory_space<vmem>>) target(%dma_start3A_278 : memref<200x128xf32, #tpu.memory_space<hbm>>) target_semaphore(%arg18 : memref<!tpu.dma_semaphore, #tpu.memory_space<semaphore_mem>>)
      %sub3A_279 = arith.constant 2 : i32
      %sub3A_280 = arith.subi %add3A_266, %sub3A_279 : i32
      %add3A_281 = arith.addi %mul3A_2, %sub3A_280 : i32
      %dma_wait3A_282 = arith.constant 0 : i32
      %dma_wait3A_283 = arith.constant 0 : i32
      %dma_wait3A_284 = tpu.memref_slice %arg4[%add3A_281, %dma_wait3A_282, %dma_wait3A_283] : memref<1024x200x128xf32, #tpu.memory_space<hbm>> -> memref<1x200x128xf32, #tpu.memory_space<hbm>>
      %dma_wait3A_285 = tpu.memref_squeeze %dma_wait3A_284 : memref<1x200x128xf32, #tpu.memory_space<hbm>> -> memref<200x128xf32, #tpu.memory_space<hbm>>
      %dma_wait3A_286 = arith.constant 0 : i32
      %dma_wait3A_287 = arith.constant 0 : i32
      %dma_wait3A_288 = tpu.memref_slice %arg4[%add3A_281, %dma_wait3A_286, %dma_wait3A_287] : memref<1024x200x128xf32, #tpu.memory_space<hbm>> -> memref<1x200x128xf32, #tpu.memory_space<hbm>>
      %dma_wait3A_289 = tpu.memref_squeeze %dma_wait3A_288 : memref<1x200x128xf32, #tpu.memory_space<hbm>> -> memref<200x128xf32, #tpu.memory_space<hbm>>
      tpu.wait_dma2 semaphore(%arg20 : memref<!tpu.dma_semaphore, #tpu.memory_space<semaphore_mem>>) src(%arg12 : memref<200x128xf32, #tpu.memory_space<vmem>>) dst(%dma_wait3A_289 : memref<200x128xf32, #tpu.memory_space<hbm>>)
      %add3A_290 = arith.constant 2 : i32
      %add3A_291 = arith.addi %add3A_266, %add3A_290 : i32
      %add3A_292 = arith.addi %mul3A_2, %add3A_291 : i32
      "tpu.region"() ({
        %run_scoped3A = tpu.sem_alloc : memref<!tpu.dma_semaphore, #tpu.memory_space<semaphore_mem>>
        %dma_start3A_362 = arith.constant 0 : i32
        %dma_start3A_363 = tpu.memref_slice %arg3[%add3A_292, %dma_start3A_362] : memref<1024x200xi32, #tpu.memory_space<hbm>> -> memref<1x200xi32, #tpu.memory_space<hbm>>
        %dma_start3A_364 = tpu.memref_squeeze %dma_start3A_363 : memref<1x200xi32, #tpu.memory_space<hbm>> -> memref<200xi32, #tpu.memory_space<hbm>>
        %dma_start3A_365 = arith.constant 0 : i32
        %dma_start3A_366 = tpu.memref_slice %arg3[%add3A_292, %dma_start3A_365] : memref<1024x200xi32, #tpu.memory_space<hbm>> -> memref<1x200xi32, #tpu.memory_space<hbm>>
        %dma_start3A_367 = tpu.memref_squeeze %dma_start3A_366 : memref<1x200xi32, #tpu.memory_space<hbm>> -> memref<200xi32, #tpu.memory_space<hbm>>
        tpu.enqueue_dma source(%dma_start3A_367 : memref<200xi32, #tpu.memory_space<hbm>>) target(%arg8 : memref<200xi32, #tpu.memory_space<vmem>>) target_semaphore(%run_scoped3A : memref<!tpu.dma_semaphore, #tpu.memory_space<semaphore_mem>>)
        %dma_wait3A_368 = arith.constant 0 : i32
        %dma_wait3A_369 = tpu.memref_slice %arg3[%add3A_292, %dma_wait3A_368] : memref<1024x200xi32, #tpu.memory_space<hbm>> -> memref<1x200xi32, #tpu.memory_space<hbm>>
        %dma_wait3A_370 = tpu.memref_squeeze %dma_wait3A_369 : memref<1x200xi32, #tpu.memory_space<hbm>> -> memref<200xi32, #tpu.memory_space<hbm>>
        %dma_wait3A_371 = arith.constant 0 : i32
        %dma_wait3A_372 = tpu.memref_slice %arg3[%add3A_292, %dma_wait3A_371] : memref<1024x200xi32, #tpu.memory_space<hbm>> -> memref<1x200xi32, #tpu.memory_space<hbm>>
        %dma_wait3A_373 = tpu.memref_squeeze %dma_wait3A_372 : memref<1x200xi32, #tpu.memory_space<hbm>> -> memref<200xi32, #tpu.memory_space<hbm>>
        tpu.wait_dma2 semaphore(%run_scoped3A : memref<!tpu.dma_semaphore, #tpu.memory_space<semaphore_mem>>) src(%dma_wait3A_373 : memref<200xi32, #tpu.memory_space<hbm>>) dst(%arg8 : memref<200xi32, #tpu.memory_space<vmem>>)
        tpu.yield
      }) : () -> ()
      %dma_start3A_293 = arith.constant 0 : i32
      %dma_start3A_294 = arith.constant 0 : i32
      %dma_start3A_295 = tpu.memref_slice %arg2[%dma_start3A_293, %dma_start3A_294] : memref<100000x128xf32, #tpu.memory_space<hbm>> -> memref<100000x128xf32, #tpu.memory_space<hbm>>
      tpu.enqueue_indirect_dma source(%dma_start3A_295 : memref<100000x128xf32, #tpu.memory_space<hbm>>) target(%arg12 : memref<200x128xf32, #tpu.memory_space<vmem>>) offsets(%arg8 : memref<200xi32, #tpu.memory_space<vmem>>) semaphore(%arg16 : memref<!tpu.dma_semaphore, #tpu.memory_space<semaphore_mem>>)
      %mul3A_296 = arith.constant 4 : i32
      %mul3A_297 = arith.muli %scan3A_230, %mul3A_296 : i32
      %add3A_298 = arith.constant 2 : i32
      %add3A_299 = arith.addi %mul3A_297, %add3A_298 : i32
      %dma_wait3A_300 = arith.constant 0 : i32
      %dma_wait3A_301 = arith.constant 0 : i32
      %dma_wait3A_302 = tpu.memref_slice %arg2[%dma_wait3A_300, %dma_wait3A_301] : memref<100000x128xf32, #tpu.memory_space<hbm>> -> memref<100000x128xf32, #tpu.memory_space<hbm>>
      tpu.wait_indirect_dma semaphore(%arg15 : memref<!tpu.dma_semaphore, #tpu.memory_space<semaphore_mem>>) src(%dma_wait3A_302 : memref<100000x128xf32, #tpu.memory_space<hbm>>) dst(%arg11 : memref<200x128xf32, #tpu.memory_space<vmem>>)
      %add3A_303 = arith.addi %mul3A_2, %add3A_299 : i32
      %dma_start3A_304 = arith.constant 0 : i32
      %dma_start3A_305 = arith.constant 0 : i32
      %dma_start3A_306 = tpu.memref_slice %arg4[%add3A_303, %dma_start3A_304, %dma_start3A_305] : memref<1024x200x128xf32, #tpu.memory_space<hbm>> -> memref<1x200x128xf32, #tpu.memory_space<hbm>>
      %dma_start3A_307 = tpu.memref_squeeze %dma_start3A_306 : memref<1x200x128xf32, #tpu.memory_space<hbm>> -> memref<200x128xf32, #tpu.memory_space<hbm>>
      %dma_start3A_308 = arith.constant 0 : i32
      %dma_start3A_309 = arith.constant 0 : i32
      %dma_start3A_310 = tpu.memref_slice %arg4[%add3A_303, %dma_start3A_308, %dma_start3A_309] : memref<1024x200x128xf32, #tpu.memory_space<hbm>> -> memref<1x200x128xf32, #tpu.memory_space<hbm>>
      %dma_start3A_311 = tpu.memref_squeeze %dma_start3A_310 : memref<1x200x128xf32, #tpu.memory_space<hbm>> -> memref<200x128xf32, #tpu.memory_space<hbm>>
      tpu.enqueue_dma source(%arg11 : memref<200x128xf32, #tpu.memory_space<vmem>>) target(%dma_start3A_311 : memref<200x128xf32, #tpu.memory_space<hbm>>) target_semaphore(%arg19 : memref<!tpu.dma_semaphore, #tpu.memory_space<semaphore_mem>>)
      %sub3A_312 = arith.constant 2 : i32
      %sub3A_313 = arith.subi %add3A_299, %sub3A_312 : i32
      %add3A_314 = arith.addi %mul3A_2, %sub3A_313 : i32
      %dma_wait3A_315 = arith.constant 0 : i32
      %dma_wait3A_316 = arith.constant 0 : i32
      %dma_wait3A_317 = tpu.memref_slice %arg4[%add3A_314, %dma_wait3A_315, %dma_wait3A_316] : memref<1024x200x128xf32, #tpu.memory_space<hbm>> -> memref<1x200x128xf32, #tpu.memory_space<hbm>>
      %dma_wait3A_318 = tpu.memref_squeeze %dma_wait3A_317 : memref<1x200x128xf32, #tpu.memory_space<hbm>> -> memref<200x128xf32, #tpu.memory_space<hbm>>
      %dma_wait3A_319 = arith.constant 0 : i32
      %dma_wait3A_320 = arith.constant 0 : i32
      %dma_wait3A_321 = tpu.memref_slice %arg4[%add3A_314, %dma_wait3A_319, %dma_wait3A_320] : memref<1024x200x128xf32, #tpu.memory_space<hbm>> -> memref<1x200x128xf32, #tpu.memory_space<hbm>>
      %dma_wait3A_322 = tpu.memref_squeeze %dma_wait3A_321 : memref<1x200x128xf32, #tpu.memory_space<hbm>> -> memref<200x128xf32, #tpu.memory_space<hbm>>
      tpu.wait_dma2 semaphore(%arg17 : memref<!tpu.dma_semaphore, #tpu.memory_space<semaphore_mem>>) src(%arg9 : memref<200x128xf32, #tpu.memory_space<vmem>>) dst(%dma_wait3A_322 : memref<200x128xf32, #tpu.memory_space<hbm>>)
      %add3A_323 = arith.constant 2 : i32
      %add3A_324 = arith.addi %add3A_299, %add3A_323 : i32
      %add3A_325 = arith.addi %mul3A_2, %add3A_324 : i32
      "tpu.region"() ({
        %run_scoped3A = tpu.sem_alloc : memref<!tpu.dma_semaphore, #tpu.memory_space<semaphore_mem>>
        %dma_start3A_362 = arith.constant 0 : i32
        %dma_start3A_363 = tpu.memref_slice %arg3[%add3A_325, %dma_start3A_362] : memref<1024x200xi32, #tpu.memory_space<hbm>> -> memref<1x200xi32, #tpu.memory_space<hbm>>
        %dma_start3A_364 = tpu.memref_squeeze %dma_start3A_363 : memref<1x200xi32, #tpu.memory_space<hbm>> -> memref<200xi32, #tpu.memory_space<hbm>>
        %dma_start3A_365 = arith.constant 0 : i32
        %dma_start3A_366 = tpu.memref_slice %arg3[%add3A_325, %dma_start3A_365] : memref<1024x200xi32, #tpu.memory_space<hbm>> -> memref<1x200xi32, #tpu.memory_space<hbm>>
        %dma_start3A_367 = tpu.memref_squeeze %dma_start3A_366 : memref<1x200xi32, #tpu.memory_space<hbm>> -> memref<200xi32, #tpu.memory_space<hbm>>
        tpu.enqueue_dma source(%dma_start3A_367 : memref<200xi32, #tpu.memory_space<hbm>>) target(%arg5 : memref<200xi32, #tpu.memory_space<vmem>>) target_semaphore(%run_scoped3A : memref<!tpu.dma_semaphore, #tpu.memory_space<semaphore_mem>>)
        %dma_wait3A_368 = arith.constant 0 : i32
        %dma_wait3A_369 = tpu.memref_slice %arg3[%add3A_325, %dma_wait3A_368] : memref<1024x200xi32, #tpu.memory_space<hbm>> -> memref<1x200xi32, #tpu.memory_space<hbm>>
        %dma_wait3A_370 = tpu.memref_squeeze %dma_wait3A_369 : memref<1x200xi32, #tpu.memory_space<hbm>> -> memref<200xi32, #tpu.memory_space<hbm>>
        %dma_wait3A_371 = arith.constant 0 : i32
        %dma_wait3A_372 = tpu.memref_slice %arg3[%add3A_325, %dma_wait3A_371] : memref<1024x200xi32, #tpu.memory_space<hbm>> -> memref<1x200xi32, #tpu.memory_space<hbm>>
        %dma_wait3A_373 = tpu.memref_squeeze %dma_wait3A_372 : memref<1x200xi32, #tpu.memory_space<hbm>> -> memref<200xi32, #tpu.memory_space<hbm>>
        tpu.wait_dma2 semaphore(%run_scoped3A : memref<!tpu.dma_semaphore, #tpu.memory_space<semaphore_mem>>) src(%dma_wait3A_373 : memref<200xi32, #tpu.memory_space<hbm>>) dst(%arg5 : memref<200xi32, #tpu.memory_space<vmem>>)
        tpu.yield
      }) : () -> ()
      %dma_start3A_326 = arith.constant 0 : i32
      %dma_start3A_327 = arith.constant 0 : i32
      %dma_start3A_328 = tpu.memref_slice %arg2[%dma_start3A_326, %dma_start3A_327] : memref<100000x128xf32, #tpu.memory_space<hbm>> -> memref<100000x128xf32, #tpu.memory_space<hbm>>
      tpu.enqueue_indirect_dma source(%dma_start3A_328 : memref<100000x128xf32, #tpu.memory_space<hbm>>) target(%arg9 : memref<200x128xf32, #tpu.memory_space<vmem>>) offsets(%arg5 : memref<200xi32, #tpu.memory_space<vmem>>) semaphore(%arg13 : memref<!tpu.dma_semaphore, #tpu.memory_space<semaphore_mem>>)
      %mul3A_329 = arith.constant 4 : i32
      %mul3A_330 = arith.muli %scan3A_230, %mul3A_329 : i32
      %add3A_331 = arith.constant 3 : i32
      %add3A_332 = arith.addi %mul3A_330, %add3A_331 : i32
      %dma_wait3A_333 = arith.constant 0 : i32
      %dma_wait3A_334 = arith.constant 0 : i32
      %dma_wait3A_335 = tpu.memref_slice %arg2[%dma_wait3A_333, %dma_wait3A_334] : memref<100000x128xf32, #tpu.memory_space<hbm>> -> memref<100000x128xf32, #tpu.memory_space<hbm>>
      tpu.wait_indirect_dma semaphore(%arg16 : memref<!tpu.dma_semaphore, #tpu.memory_space<semaphore_mem>>) src(%dma_wait3A_335 : memref<100000x128xf32, #tpu.memory_space<hbm>>) dst(%arg12 : memref<200x128xf32, #tpu.memory_space<vmem>>)
      %add3A_336 = arith.addi %mul3A_2, %add3A_332 : i32
      %dma_start3A_337 = arith.constant 0 : i32
      %dma_start3A_338 = arith.constant 0 : i32
      %dma_start3A_339 = tpu.memref_slice %arg4[%add3A_336, %dma_start3A_337, %dma_start3A_338] : memref<1024x200x128xf32, #tpu.memory_space<hbm>> -> memref<1x200x128xf32, #tpu.memory_space<hbm>>
      %dma_start3A_340 = tpu.memref_squeeze %dma_start3A_339 : memref<1x200x128xf32, #tpu.memory_space<hbm>> -> memref<200x128xf32, #tpu.memory_space<hbm>>
      %dma_start3A_341 = arith.constant 0 : i32
      %dma_start3A_342 = arith.constant 0 : i32
      %dma_start3A_343 = tpu.memref_slice %arg4[%add3A_336, %dma_start3A_341, %dma_start3A_342] : memref<1024x200x128xf32, #tpu.memory_space<hbm>> -> memref<1x200x128xf32, #tpu.memory_space<hbm>>
      %dma_start3A_344 = tpu.memref_squeeze %dma_start3A_343 : memref<1x200x128xf32, #tpu.memory_space<hbm>> -> memref<200x128xf32, #tpu.memory_space<hbm>>
      tpu.enqueue_dma source(%arg12 : memref<200x128xf32, #tpu.memory_space<vmem>>) target(%dma_start3A_344 : memref<200x128xf32, #tpu.memory_space<hbm>>) target_semaphore(%arg20 : memref<!tpu.dma_semaphore, #tpu.memory_space<semaphore_mem>>)
      %sub3A_345 = arith.constant 2 : i32
      %sub3A_346 = arith.subi %add3A_332, %sub3A_345 : i32
      %add3A_347 = arith.addi %mul3A_2, %sub3A_346 : i32
      %dma_wait3A_348 = arith.constant 0 : i32
      %dma_wait3A_349 = arith.constant 0 : i32
      %dma_wait3A_350 = tpu.memref_slice %arg4[%add3A_347, %dma_wait3A_348, %dma_wait3A_349] : memref<1024x200x128xf32, #tpu.memory_space<hbm>> -> memref<1x200x128xf32, #tpu.memory_space<hbm>>
      %dma_wait3A_351 = tpu.memref_squeeze %dma_wait3A_350 : memref<1x200x128xf32, #tpu.memory_space<hbm>> -> memref<200x128xf32, #tpu.memory_space<hbm>>
      %dma_wait3A_352 = arith.constant 0 : i32
      %dma_wait3A_353 = arith.constant 0 : i32
      %dma_wait3A_354 = tpu.memref_slice %arg4[%add3A_347, %dma_wait3A_352, %dma_wait3A_353] : memref<1024x200x128xf32, #tpu.memory_space<hbm>> -> memref<1x200x128xf32, #tpu.memory_space<hbm>>
      %dma_wait3A_355 = tpu.memref_squeeze %dma_wait3A_354 : memref<1x200x128xf32, #tpu.memory_space<hbm>> -> memref<200x128xf32, #tpu.memory_space<hbm>>
      tpu.wait_dma2 semaphore(%arg18 : memref<!tpu.dma_semaphore, #tpu.memory_space<semaphore_mem>>) src(%arg10 : memref<200x128xf32, #tpu.memory_space<vmem>>) dst(%dma_wait3A_355 : memref<200x128xf32, #tpu.memory_space<hbm>>)
      %add3A_356 = arith.constant 2 : i32
      %add3A_357 = arith.addi %add3A_332, %add3A_356 : i32
      %add3A_358 = arith.addi %mul3A_2, %add3A_357 : i32
      "tpu.region"() ({
        %run_scoped3A = tpu.sem_alloc : memref<!tpu.dma_semaphore, #tpu.memory_space<semaphore_mem>>
        %dma_start3A_362 = arith.constant 0 : i32
        %dma_start3A_363 = tpu.memref_slice %arg3[%add3A_358, %dma_start3A_362] : memref<1024x200xi32, #tpu.memory_space<hbm>> -> memref<1x200xi32, #tpu.memory_space<hbm>>
        %dma_start3A_364 = tpu.memref_squeeze %dma_start3A_363 : memref<1x200xi32, #tpu.memory_space<hbm>> -> memref<200xi32, #tpu.memory_space<hbm>>
        %dma_start3A_365 = arith.constant 0 : i32
        %dma_start3A_366 = tpu.memref_slice %arg3[%add3A_358, %dma_start3A_365] : memref<1024x200xi32, #tpu.memory_space<hbm>> -> memref<1x200xi32, #tpu.memory_space<hbm>>
        %dma_start3A_367 = tpu.memref_squeeze %dma_start3A_366 : memref<1x200xi32, #tpu.memory_space<hbm>> -> memref<200xi32, #tpu.memory_space<hbm>>
        tpu.enqueue_dma source(%dma_start3A_367 : memref<200xi32, #tpu.memory_space<hbm>>) target(%arg6 : memref<200xi32, #tpu.memory_space<vmem>>) target_semaphore(%run_scoped3A : memref<!tpu.dma_semaphore, #tpu.memory_space<semaphore_mem>>)
        %dma_wait3A_368 = arith.constant 0 : i32
        %dma_wait3A_369 = tpu.memref_slice %arg3[%add3A_358, %dma_wait3A_368] : memref<1024x200xi32, #tpu.memory_space<hbm>> -> memref<1x200xi32, #tpu.memory_space<hbm>>
        %dma_wait3A_370 = tpu.memref_squeeze %dma_wait3A_369 : memref<1x200xi32, #tpu.memory_space<hbm>> -> memref<200xi32, #tpu.memory_space<hbm>>
        %dma_wait3A_371 = arith.constant 0 : i32
        %dma_wait3A_372 = tpu.memref_slice %arg3[%add3A_358, %dma_wait3A_371] : memref<1024x200xi32, #tpu.memory_space<hbm>> -> memref<1x200xi32, #tpu.memory_space<hbm>>
        %dma_wait3A_373 = tpu.memref_squeeze %dma_wait3A_372 : memref<1x200xi32, #tpu.memory_space<hbm>> -> memref<200xi32, #tpu.memory_space<hbm>>
        tpu.wait_dma2 semaphore(%run_scoped3A : memref<!tpu.dma_semaphore, #tpu.memory_space<semaphore_mem>>) src(%dma_wait3A_373 : memref<200xi32, #tpu.memory_space<hbm>>) dst(%arg6 : memref<200xi32, #tpu.memory_space<vmem>>)
        tpu.yield
      }) : () -> ()
      %dma_start3A_359 = arith.constant 0 : i32
      %dma_start3A_360 = arith.constant 0 : i32
      %dma_start3A_361 = tpu.memref_slice %arg2[%dma_start3A_359, %dma_start3A_360] : memref<100000x128xf32, #tpu.memory_space<hbm>> -> memref<100000x128xf32, #tpu.memory_space<hbm>>
      tpu.enqueue_indirect_dma source(%dma_start3A_361 : memref<100000x128xf32, #tpu.memory_space<hbm>>) target(%arg10 : memref<200x128xf32, #tpu.memory_space<vmem>>) offsets(%arg6 : memref<200xi32, #tpu.memory_space<vmem>>) semaphore(%arg14 : memref<!tpu.dma_semaphore, #tpu.memory_space<semaphore_mem>>)
    }
    %scan3A_107 = arith.constant 6 : i32
    %dma_wait3A_108 = arith.constant 0 : i32
    %dma_wait3A_109 = arith.constant 0 : i32
    %dma_wait3A_110 = tpu.memref_slice %arg2[%dma_wait3A_108, %dma_wait3A_109] : memref<100000x128xf32, #tpu.memory_space<hbm>> -> memref<100000x128xf32, #tpu.memory_space<hbm>>
    tpu.wait_indirect_dma semaphore(%arg13 : memref<!tpu.dma_semaphore, #tpu.memory_space<semaphore_mem>>) src(%dma_wait3A_110 : memref<100000x128xf32, #tpu.memory_space<hbm>>) dst(%arg9 : memref<200x128xf32, #tpu.memory_space<vmem>>)
    %add3A_111 = arith.constant 28 : i32
    %add3A_112 = arith.addi %mul3A_2, %add3A_111 : i32
    %dma_start3A_113 = arith.constant 0 : i32
    %dma_start3A_114 = arith.constant 0 : i32
    %dma_start3A_115 = tpu.memref_slice %arg4[%add3A_112, %dma_start3A_113, %dma_start3A_114] : memref<1024x200x128xf32, #tpu.memory_space<hbm>> -> memref<1x200x128xf32, #tpu.memory_space<hbm>>
    %dma_start3A_116 = tpu.memref_squeeze %dma_start3A_115 : memref<1x200x128xf32, #tpu.memory_space<hbm>> -> memref<200x128xf32, #tpu.memory_space<hbm>>
    %dma_start3A_117 = arith.constant 0 : i32
    %dma_start3A_118 = arith.constant 0 : i32
    %dma_start3A_119 = tpu.memref_slice %arg4[%add3A_112, %dma_start3A_117, %dma_start3A_118] : memref<1024x200x128xf32, #tpu.memory_space<hbm>> -> memref<1x200x128xf32, #tpu.memory_space<hbm>>
    %dma_start3A_120 = tpu.memref_squeeze %dma_start3A_119 : memref<1x200x128xf32, #tpu.memory_space<hbm>> -> memref<200x128xf32, #tpu.memory_space<hbm>>
    tpu.enqueue_dma source(%arg9 : memref<200x128xf32, #tpu.memory_space<vmem>>) target(%dma_start3A_120 : memref<200x128xf32, #tpu.memory_space<hbm>>) target_semaphore(%arg17 : memref<!tpu.dma_semaphore, #tpu.memory_space<semaphore_mem>>)
    %add3A_121 = arith.constant 26 : i32
    %add3A_122 = arith.addi %mul3A_2, %add3A_121 : i32
    %dma_wait3A_123 = arith.constant 0 : i32
    %dma_wait3A_124 = arith.constant 0 : i32
    %dma_wait3A_125 = tpu.memref_slice %arg4[%add3A_122, %dma_wait3A_123, %dma_wait3A_124] : memref<1024x200x128xf32, #tpu.memory_space<hbm>> -> memref<1x200x128xf32, #tpu.memory_space<hbm>>
    %dma_wait3A_126 = tpu.memref_squeeze %dma_wait3A_125 : memref<1x200x128xf32, #tpu.memory_space<hbm>> -> memref<200x128xf32, #tpu.memory_space<hbm>>
    %dma_wait3A_127 = arith.constant 0 : i32
    %dma_wait3A_128 = arith.constant 0 : i32
    %dma_wait3A_129 = tpu.memref_slice %arg4[%add3A_122, %dma_wait3A_127, %dma_wait3A_128] : memref<1024x200x128xf32, #tpu.memory_space<hbm>> -> memref<1x200x128xf32, #tpu.memory_space<hbm>>
    %dma_wait3A_130 = tpu.memref_squeeze %dma_wait3A_129 : memref<1x200x128xf32, #tpu.memory_space<hbm>> -> memref<200x128xf32, #tpu.memory_space<hbm>>
    tpu.wait_dma2 semaphore(%arg19 : memref<!tpu.dma_semaphore, #tpu.memory_space<semaphore_mem>>) src(%arg11 : memref<200x128xf32, #tpu.memory_space<vmem>>) dst(%dma_wait3A_130 : memref<200x128xf32, #tpu.memory_space<hbm>>)
    %add3A_131 = arith.constant 30 : i32
    %add3A_132 = arith.addi %mul3A_2, %add3A_131 : i32
    "tpu.region"() ({
      %run_scoped3A = tpu.sem_alloc : memref<!tpu.dma_semaphore, #tpu.memory_space<semaphore_mem>>
      %dma_start3A_230 = arith.constant 0 : i32
      %dma_start3A_231 = tpu.memref_slice %arg3[%add3A_132, %dma_start3A_230] : memref<1024x200xi32, #tpu.memory_space<hbm>> -> memref<1x200xi32, #tpu.memory_space<hbm>>
      %dma_start3A_232 = tpu.memref_squeeze %dma_start3A_231 : memref<1x200xi32, #tpu.memory_space<hbm>> -> memref<200xi32, #tpu.memory_space<hbm>>
      %dma_start3A_233 = arith.constant 0 : i32
      %dma_start3A_234 = tpu.memref_slice %arg3[%add3A_132, %dma_start3A_233] : memref<1024x200xi32, #tpu.memory_space<hbm>> -> memref<1x200xi32, #tpu.memory_space<hbm>>
      %dma_start3A_235 = tpu.memref_squeeze %dma_start3A_234 : memref<1x200xi32, #tpu.memory_space<hbm>> -> memref<200xi32, #tpu.memory_space<hbm>>
      tpu.enqueue_dma source(%dma_start3A_235 : memref<200xi32, #tpu.memory_space<hbm>>) target(%arg7 : memref<200xi32, #tpu.memory_space<vmem>>) target_semaphore(%run_scoped3A : memref<!tpu.dma_semaphore, #tpu.memory_space<semaphore_mem>>)
      %dma_wait3A_236 = arith.constant 0 : i32
      %dma_wait3A_237 = tpu.memref_slice %arg3[%add3A_132, %dma_wait3A_236] : memref<1024x200xi32, #tpu.memory_space<hbm>> -> memref<1x200xi32, #tpu.memory_space<hbm>>
      %dma_wait3A_238 = tpu.memref_squeeze %dma_wait3A_237 : memref<1x200xi32, #tpu.memory_space<hbm>> -> memref<200xi32, #tpu.memory_space<hbm>>
      %dma_wait3A_239 = arith.constant 0 : i32
      %dma_wait3A_240 = tpu.memref_slice %arg3[%add3A_132, %dma_wait3A_239] : memref<1024x200xi32, #tpu.memory_space<hbm>> -> memref<1x200xi32, #tpu.memory_space<hbm>>
      %dma_wait3A_241 = tpu.memref_squeeze %dma_wait3A_240 : memref<1x200xi32, #tpu.memory_space<hbm>> -> memref<200xi32, #tpu.memory_space<hbm>>
      tpu.wait_dma2 semaphore(%run_scoped3A : memref<!tpu.dma_semaphore, #tpu.memory_space<semaphore_mem>>) src(%dma_wait3A_241 : memref<200xi32, #tpu.memory_space<hbm>>) dst(%arg7 : memref<200xi32, #tpu.memory_space<vmem>>)
      tpu.yield
    }) : () -> ()
    %dma_start3A_133 = arith.constant 0 : i32
    %dma_start3A_134 = arith.constant 0 : i32
    %dma_start3A_135 = tpu.memref_slice %arg2[%dma_start3A_133, %dma_start3A_134] : memref<100000x128xf32, #tpu.memory_space<hbm>> -> memref<100000x128xf32, #tpu.memory_space<hbm>>
    tpu.enqueue_indirect_dma source(%dma_start3A_135 : memref<100000x128xf32, #tpu.memory_space<hbm>>) target(%arg11 : memref<200x128xf32, #tpu.memory_space<vmem>>) offsets(%arg7 : memref<200xi32, #tpu.memory_space<vmem>>) semaphore(%arg15 : memref<!tpu.dma_semaphore, #tpu.memory_space<semaphore_mem>>)
    %dma_wait3A_136 = arith.constant 0 : i32
    %dma_wait3A_137 = arith.constant 0 : i32
    %dma_wait3A_138 = tpu.memref_slice %arg2[%dma_wait3A_136, %dma_wait3A_137] : memref<100000x128xf32, #tpu.memory_space<hbm>> -> memref<100000x128xf32, #tpu.memory_space<hbm>>
    tpu.wait_indirect_dma semaphore(%arg14 : memref<!tpu.dma_semaphore, #tpu.memory_space<semaphore_mem>>) src(%dma_wait3A_138 : memref<100000x128xf32, #tpu.memory_space<hbm>>) dst(%arg10 : memref<200x128xf32, #tpu.memory_space<vmem>>)
    %add3A_139 = arith.constant 29 : i32
    %add3A_140 = arith.addi %mul3A_2, %add3A_139 : i32
    %dma_start3A_141 = arith.constant 0 : i32
    %dma_start3A_142 = arith.constant 0 : i32
    %dma_start3A_143 = tpu.memref_slice %arg4[%add3A_140, %dma_start3A_141, %dma_start3A_142] : memref<1024x200x128xf32, #tpu.memory_space<hbm>> -> memref<1x200x128xf32, #tpu.memory_space<hbm>>
    %dma_start3A_144 = tpu.memref_squeeze %dma_start3A_143 : memref<1x200x128xf32, #tpu.memory_space<hbm>> -> memref<200x128xf32, #tpu.memory_space<hbm>>
    %dma_start3A_145 = arith.constant 0 : i32
    %dma_start3A_146 = arith.constant 0 : i32
    %dma_start3A_147 = tpu.memref_slice %arg4[%add3A_140, %dma_start3A_145, %dma_start3A_146] : memref<1024x200x128xf32, #tpu.memory_space<hbm>> -> memref<1x200x128xf32, #tpu.memory_space<hbm>>
    %dma_start3A_148 = tpu.memref_squeeze %dma_start3A_147 : memref<1x200x128xf32, #tpu.memory_space<hbm>> -> memref<200x128xf32, #tpu.memory_space<hbm>>
    tpu.enqueue_dma source(%arg10 : memref<200x128xf32, #tpu.memory_space<vmem>>) target(%dma_start3A_148 : memref<200x128xf32, #tpu.memory_space<hbm>>) target_semaphore(%arg18 : memref<!tpu.dma_semaphore, #tpu.memory_space<semaphore_mem>>)
    %add3A_149 = arith.constant 27 : i32
    %add3A_150 = arith.addi %mul3A_2, %add3A_149 : i32
    %dma_wait3A_151 = arith.constant 0 : i32
    %dma_wait3A_152 = arith.constant 0 : i32
    %dma_wait3A_153 = tpu.memref_slice %arg4[%add3A_150, %dma_wait3A_151, %dma_wait3A_152] : memref<1024x200x128xf32, #tpu.memory_space<hbm>> -> memref<1x200x128xf32, #tpu.memory_space<hbm>>
    %dma_wait3A_154 = tpu.memref_squeeze %dma_wait3A_153 : memref<1x200x128xf32, #tpu.memory_space<hbm>> -> memref<200x128xf32, #tpu.memory_space<hbm>>
    %dma_wait3A_155 = arith.constant 0 : i32
    %dma_wait3A_156 = arith.constant 0 : i32
    %dma_wait3A_157 = tpu.memref_slice %arg4[%add3A_150, %dma_wait3A_155, %dma_wait3A_156] : memref<1024x200x128xf32, #tpu.memory_space<hbm>> -> memref<1x200x128xf32, #tpu.memory_space<hbm>>
    %dma_wait3A_158 = tpu.memref_squeeze %dma_wait3A_157 : memref<1x200x128xf32, #tpu.memory_space<hbm>> -> memref<200x128xf32, #tpu.memory_space<hbm>>
    tpu.wait_dma2 semaphore(%arg20 : memref<!tpu.dma_semaphore, #tpu.memory_space<semaphore_mem>>) src(%arg12 : memref<200x128xf32, #tpu.memory_space<vmem>>) dst(%dma_wait3A_158 : memref<200x128xf32, #tpu.memory_space<hbm>>)
    %add3A_159 = arith.constant 31 : i32
    %add3A_160 = arith.addi %mul3A_2, %add3A_159 : i32
    "tpu.region"() ({
      %run_scoped3A = tpu.sem_alloc : memref<!tpu.dma_semaphore, #tpu.memory_space<semaphore_mem>>
      %dma_start3A_230 = arith.constant 0 : i32
      %dma_start3A_231 = tpu.memref_slice %arg3[%add3A_160, %dma_start3A_230] : memref<1024x200xi32, #tpu.memory_space<hbm>> -> memref<1x200xi32, #tpu.memory_space<hbm>>
      %dma_start3A_232 = tpu.memref_squeeze %dma_start3A_231 : memref<1x200xi32, #tpu.memory_space<hbm>> -> memref<200xi32, #tpu.memory_space<hbm>>
      %dma_start3A_233 = arith.constant 0 : i32
      %dma_start3A_234 = tpu.memref_slice %arg3[%add3A_160, %dma_start3A_233] : memref<1024x200xi32, #tpu.memory_space<hbm>> -> memref<1x200xi32, #tpu.memory_space<hbm>>
      %dma_start3A_235 = tpu.memref_squeeze %dma_start3A_234 : memref<1x200xi32, #tpu.memory_space<hbm>> -> memref<200xi32, #tpu.memory_space<hbm>>
      tpu.enqueue_dma source(%dma_start3A_235 : memref<200xi32, #tpu.memory_space<hbm>>) target(%arg8 : memref<200xi32, #tpu.memory_space<vmem>>) target_semaphore(%run_scoped3A : memref<!tpu.dma_semaphore, #tpu.memory_space<semaphore_mem>>)
      %dma_wait3A_236 = arith.constant 0 : i32
      %dma_wait3A_237 = tpu.memref_slice %arg3[%add3A_160, %dma_wait3A_236] : memref<1024x200xi32, #tpu.memory_space<hbm>> -> memref<1x200xi32, #tpu.memory_space<hbm>>
      %dma_wait3A_238 = tpu.memref_squeeze %dma_wait3A_237 : memref<1x200xi32, #tpu.memory_space<hbm>> -> memref<200xi32, #tpu.memory_space<hbm>>
      %dma_wait3A_239 = arith.constant 0 : i32
      %dma_wait3A_240 = tpu.memref_slice %arg3[%add3A_160, %dma_wait3A_239] : memref<1024x200xi32, #tpu.memory_space<hbm>> -> memref<1x200xi32, #tpu.memory_space<hbm>>
      %dma_wait3A_241 = tpu.memref_squeeze %dma_wait3A_240 : memref<1x200xi32, #tpu.memory_space<hbm>> -> memref<200xi32, #tpu.memory_space<hbm>>
      tpu.wait_dma2 semaphore(%run_scoped3A : memref<!tpu.dma_semaphore, #tpu.memory_space<semaphore_mem>>) src(%dma_wait3A_241 : memref<200xi32, #tpu.memory_space<hbm>>) dst(%arg8 : memref<200xi32, #tpu.memory_space<vmem>>)
      tpu.yield
    }) : () -> ()
    %dma_start3A_161 = arith.constant 0 : i32
    %dma_start3A_162 = arith.constant 0 : i32
    %dma_start3A_163 = tpu.memref_slice %arg2[%dma_start3A_161, %dma_start3A_162] : memref<100000x128xf32, #tpu.memory_space<hbm>> -> memref<100000x128xf32, #tpu.memory_space<hbm>>
    tpu.enqueue_indirect_dma source(%dma_start3A_163 : memref<100000x128xf32, #tpu.memory_space<hbm>>) target(%arg12 : memref<200x128xf32, #tpu.memory_space<vmem>>) offsets(%arg8 : memref<200xi32, #tpu.memory_space<vmem>>) semaphore(%arg16 : memref<!tpu.dma_semaphore, #tpu.memory_space<semaphore_mem>>)
    %dma_wait3A_164 = arith.constant 0 : i32
    %dma_wait3A_165 = arith.constant 0 : i32
    %dma_wait3A_166 = tpu.memref_slice %arg2[%dma_wait3A_164, %dma_wait3A_165] : memref<100000x128xf32, #tpu.memory_space<hbm>> -> memref<100000x128xf32, #tpu.memory_space<hbm>>
    tpu.wait_indirect_dma semaphore(%arg15 : memref<!tpu.dma_semaphore, #tpu.memory_space<semaphore_mem>>) src(%dma_wait3A_166 : memref<100000x128xf32, #tpu.memory_space<hbm>>) dst(%arg11 : memref<200x128xf32, #tpu.memory_space<vmem>>)
    %add3A_167 = arith.constant 30 : i32
    %add3A_168 = arith.addi %mul3A_2, %add3A_167 : i32
    %dma_start3A_169 = arith.constant 0 : i32
    %dma_start3A_170 = arith.constant 0 : i32
    %dma_start3A_171 = tpu.memref_slice %arg4[%add3A_168, %dma_start3A_169, %dma_start3A_170] : memref<1024x200x128xf32, #tpu.memory_space<hbm>> -> memref<1x200x128xf32, #tpu.memory_space<hbm>>
    %dma_start3A_172 = tpu.memref_squeeze %dma_start3A_171 : memref<1x200x128xf32, #tpu.memory_space<hbm>> -> memref<200x128xf32, #tpu.memory_space<hbm>>
    %dma_start3A_173 = arith.constant 0 : i32
    %dma_start3A_174 = arith.constant 0 : i32
    %dma_start3A_175 = tpu.memref_slice %arg4[%add3A_168, %dma_start3A_173, %dma_start3A_174] : memref<1024x200x128xf32, #tpu.memory_space<hbm>> -> memref<1x200x128xf32, #tpu.memory_space<hbm>>
    %dma_start3A_176 = tpu.memref_squeeze %dma_start3A_175 : memref<1x200x128xf32, #tpu.memory_space<hbm>> -> memref<200x128xf32, #tpu.memory_space<hbm>>
    tpu.enqueue_dma source(%arg11 : memref<200x128xf32, #tpu.memory_space<vmem>>) target(%dma_start3A_176 : memref<200x128xf32, #tpu.memory_space<hbm>>) target_semaphore(%arg19 : memref<!tpu.dma_semaphore, #tpu.memory_space<semaphore_mem>>)
    %add3A_177 = arith.constant 28 : i32
    %add3A_178 = arith.addi %mul3A_2, %add3A_177 : i32
    %dma_wait3A_179 = arith.constant 0 : i32
    %dma_wait3A_180 = arith.constant 0 : i32
    %dma_wait3A_181 = tpu.memref_slice %arg4[%add3A_178, %dma_wait3A_179, %dma_wait3A_180] : memref<1024x200x128xf32, #tpu.memory_space<hbm>> -> memref<1x200x128xf32, #tpu.memory_space<hbm>>
    %dma_wait3A_182 = tpu.memref_squeeze %dma_wait3A_181 : memref<1x200x128xf32, #tpu.memory_space<hbm>> -> memref<200x128xf32, #tpu.memory_space<hbm>>
    %dma_wait3A_183 = arith.constant 0 : i32
    %dma_wait3A_184 = arith.constant 0 : i32
    %dma_wait3A_185 = tpu.memref_slice %arg4[%add3A_178, %dma_wait3A_183, %dma_wait3A_184] : memref<1024x200x128xf32, #tpu.memory_space<hbm>> -> memref<1x200x128xf32, #tpu.memory_space<hbm>>
    %dma_wait3A_186 = tpu.memref_squeeze %dma_wait3A_185 : memref<1x200x128xf32, #tpu.memory_space<hbm>> -> memref<200x128xf32, #tpu.memory_space<hbm>>
    tpu.wait_dma2 semaphore(%arg17 : memref<!tpu.dma_semaphore, #tpu.memory_space<semaphore_mem>>) src(%arg9 : memref<200x128xf32, #tpu.memory_space<vmem>>) dst(%dma_wait3A_186 : memref<200x128xf32, #tpu.memory_space<hbm>>)
    %dma_wait3A_187 = arith.constant 0 : i32
    %dma_wait3A_188 = arith.constant 0 : i32
    %dma_wait3A_189 = tpu.memref_slice %arg2[%dma_wait3A_187, %dma_wait3A_188] : memref<100000x128xf32, #tpu.memory_space<hbm>> -> memref<100000x128xf32, #tpu.memory_space<hbm>>
    tpu.wait_indirect_dma semaphore(%arg16 : memref<!tpu.dma_semaphore, #tpu.memory_space<semaphore_mem>>) src(%dma_wait3A_189 : memref<100000x128xf32, #tpu.memory_space<hbm>>) dst(%arg12 : memref<200x128xf32, #tpu.memory_space<vmem>>)
    %add3A_190 = arith.constant 31 : i32
    %add3A_191 = arith.addi %mul3A_2, %add3A_190 : i32
    %dma_start3A_192 = arith.constant 0 : i32
    %dma_start3A_193 = arith.constant 0 : i32
    %dma_start3A_194 = tpu.memref_slice %arg4[%add3A_191, %dma_start3A_192, %dma_start3A_193] : memref<1024x200x128xf32, #tpu.memory_space<hbm>> -> memref<1x200x128xf32, #tpu.memory_space<hbm>>
    %dma_start3A_195 = tpu.memref_squeeze %dma_start3A_194 : memref<1x200x128xf32, #tpu.memory_space<hbm>> -> memref<200x128xf32, #tpu.memory_space<hbm>>
    %dma_start3A_196 = arith.constant 0 : i32
    %dma_start3A_197 = arith.constant 0 : i32
    %dma_start3A_198 = tpu.memref_slice %arg4[%add3A_191, %dma_start3A_196, %dma_start3A_197] : memref<1024x200x128xf32, #tpu.memory_space<hbm>> -> memref<1x200x128xf32, #tpu.memory_space<hbm>>
    %dma_start3A_199 = tpu.memref_squeeze %dma_start3A_198 : memref<1x200x128xf32, #tpu.memory_space<hbm>> -> memref<200x128xf32, #tpu.memory_space<hbm>>
    tpu.enqueue_dma source(%arg12 : memref<200x128xf32, #tpu.memory_space<vmem>>) target(%dma_start3A_199 : memref<200x128xf32, #tpu.memory_space<hbm>>) target_semaphore(%arg20 : memref<!tpu.dma_semaphore, #tpu.memory_space<semaphore_mem>>)
    %add3A_200 = arith.constant 29 : i32
    %add3A_201 = arith.addi %mul3A_2, %add3A_200 : i32
    %dma_wait3A_202 = arith.constant 0 : i32
    %dma_wait3A_203 = arith.constant 0 : i32
    %dma_wait3A_204 = tpu.memref_slice %arg4[%add3A_201, %dma_wait3A_202, %dma_wait3A_203] : memref<1024x200x128xf32, #tpu.memory_space<hbm>> -> memref<1x200x128xf32, #tpu.memory_space<hbm>>
    %dma_wait3A_205 = tpu.memref_squeeze %dma_wait3A_204 : memref<1x200x128xf32, #tpu.memory_space<hbm>> -> memref<200x128xf32, #tpu.memory_space<hbm>>
    %dma_wait3A_206 = arith.constant 0 : i32
    %dma_wait3A_207 = arith.constant 0 : i32
    %dma_wait3A_208 = tpu.memref_slice %arg4[%add3A_201, %dma_wait3A_206, %dma_wait3A_207] : memref<1024x200x128xf32, #tpu.memory_space<hbm>> -> memref<1x200x128xf32, #tpu.memory_space<hbm>>
    %dma_wait3A_209 = tpu.memref_squeeze %dma_wait3A_208 : memref<1x200x128xf32, #tpu.memory_space<hbm>> -> memref<200x128xf32, #tpu.memory_space<hbm>>
    tpu.wait_dma2 semaphore(%arg18 : memref<!tpu.dma_semaphore, #tpu.memory_space<semaphore_mem>>) src(%arg10 : memref<200x128xf32, #tpu.memory_space<vmem>>) dst(%dma_wait3A_209 : memref<200x128xf32, #tpu.memory_space<hbm>>)
    %add3A_210 = arith.constant 30 : i32
    %add3A_211 = arith.addi %mul3A_2, %add3A_210 : i32
    %dma_wait3A_212 = arith.constant 0 : i32
    %dma_wait3A_213 = arith.constant 0 : i32
    %dma_wait3A_214 = tpu.memref_slice %arg4[%add3A_211, %dma_wait3A_212, %dma_wait3A_213] : memref<1024x200x128xf32, #tpu.memory_space<hbm>> -> memref<1x200x128xf32, #tpu.memory_space<hbm>>
    %dma_wait3A_215 = tpu.memref_squeeze %dma_wait3A_214 : memref<1x200x128xf32, #tpu.memory_space<hbm>> -> memref<200x128xf32, #tpu.memory_space<hbm>>
    %dma_wait3A_216 = arith.constant 0 : i32
    %dma_wait3A_217 = arith.constant 0 : i32
    %dma_wait3A_218 = tpu.memref_slice %arg4[%add3A_211, %dma_wait3A_216, %dma_wait3A_217] : memref<1024x200x128xf32, #tpu.memory_space<hbm>> -> memref<1x200x128xf32, #tpu.memory_space<hbm>>
    %dma_wait3A_219 = tpu.memref_squeeze %dma_wait3A_218 : memref<1x200x128xf32, #tpu.memory_space<hbm>> -> memref<200x128xf32, #tpu.memory_space<hbm>>
    tpu.wait_dma2 semaphore(%arg19 : memref<!tpu.dma_semaphore, #tpu.memory_space<semaphore_mem>>) src(%arg11 : memref<200x128xf32, #tpu.memory_space<vmem>>) dst(%dma_wait3A_219 : memref<200x128xf32, #tpu.memory_space<hbm>>)
    %add3A_220 = arith.constant 31 : i32
    %add3A_221 = arith.addi %mul3A_2, %add3A_220 : i32
    %dma_wait3A_222 = arith.constant 0 : i32
    %dma_wait3A_223 = arith.constant 0 : i32
    %dma_wait3A_224 = tpu.memref_slice %arg4[%add3A_221, %dma_wait3A_222, %dma_wait3A_223] : memref<1024x200x128xf32, #tpu.memory_space<hbm>> -> memref<1x200x128xf32, #tpu.memory_space<hbm>>
    %dma_wait3A_225 = tpu.memref_squeeze %dma_wait3A_224 : memref<1x200x128xf32, #tpu.memory_space<hbm>> -> memref<200x128xf32, #tpu.memory_space<hbm>>
    %dma_wait3A_226 = arith.constant 0 : i32
    %dma_wait3A_227 = arith.constant 0 : i32
    %dma_wait3A_228 = tpu.memref_slice %arg4[%add3A_221, %dma_wait3A_226, %dma_wait3A_227] : memref<1024x200x128xf32, #tpu.memory_space<hbm>> -> memref<1x200x128xf32, #tpu.memory_space<hbm>>
    %dma_wait3A_229 = tpu.memref_squeeze %dma_wait3A_228 : memref<1x200x128xf32, #tpu.memory_space<hbm>> -> memref<200x128xf32, #tpu.memory_space<hbm>>
    tpu.wait_dma2 semaphore(%arg20 : memref<!tpu.dma_semaphore, #tpu.memory_space<semaphore_mem>>) src(%arg12 : memref<200x128xf32, #tpu.memory_space<vmem>>) dst(%dma_wait3A_229 : memref<200x128xf32, #tpu.memory_space<hbm>>)
    return
  }
}

</mosaic_0001>

<sc_bundles>
// kernel: _lookup.3.cloned.1.call-start
scs
__scs_entry_jumppad:
0x0: {  	(pc) =	sbr.rel $0x88, $3  }
0x1: {  	(tag) =	ssettag $0x0;
	lr =	simm.s32 $0x1  }
0x2: {  	[smem:$0x3F9F] =	sst lr;
	_ =	strace $0xD0000000  }
0x3: {  	_ = 	snop  }
0x4: {  	_ = 	snop  }
0x5: {  	_ = 	snop  }
0x6: {  	_ = 	snop  }
0x7: {  	_ = 	snop  }
__scs_overlays_trampoline_lowered:
0x8: {  	[smem:$0x3FAE] =	sst s0  }
0x9: {  	[smem:$0x3FAF] =	sst s1  }
0xa: {  	[smem:$0x3FB0] =	sst s2  }
0xb: {  	[smem:$0x3FB1] =	sst s3  }
0xc: {  	[smem:$0x3FB2] =	sst s4  }
0xd: {  	[smem:$0x3FB3] =	sst s5  }
0xe: {  	[smem:$0x3FB4] =	sst s6  }
0xf: {  	[smem:$0x3FB5] =	sst s7  }
0x10: {  	[smem:$0x3FB6] =	sst s8  }
0x11: {  	[smem:$0x3FB7] =	sst s9;
	s0 =	simm.s32 @!p0 $0x0  }
0x12: {  	s1 =	sld [smem:$0x3F9D];
	s0 =	simm.s32 @p0 $0x1  }
0x13: {  	[smem:$0x3FB8] =	sst s0;
	s0 =	simm.s32 @!p1 $0x0  }
0x14: {  	s2 =	sld [smem:$0x3F9C];
	s0 =	simm.s32 @p1 $0x1  }
0x15: {  	[smem:$0x3FB9] =	sst s0;
	s0 =	simm.s32 @!p2 $0x0  }
0x16: {  	s3 =	sld [smem:$0x3FDB];
	s0 =	simm.s32 @p2 $0x1  }
0x17: {  	s4 =	simm.s32 $0x1BF5;
	[smem:$0x3FBB] =	sst s0  }
0x18: {  	s0 =	sld [smem:$0x3F9E];
	_ =	swait.ge [sflag:s4], $0x0  }
0x19: {  	s7 =	sld [smem:$0x3F9F]  }
0x1a: {  	s8 =	sadd.s32 $0xFFFFE003, lr  }
0x1b: {  	s9 =	sadd.s32 $0xFFFFFEF7, lr;
	s5 =	simm.s32 $0xFFFFFFFF;
	p2 =	slt.u32 s8, $0xFFFFF086  }
0x1c: {  	p1 =	slt.u32 s9, $0xF7A;
	s5 =	simm.s32 @!p2 $0x0  }
0x1d: {  	s5 =	simm.s32 @p1 $0x1;
	p0 =	seq.s32 s7, s2  }
0x1e: {  	s7 =	smul.u32 @!p0 $0xF7A, s2;
	p2 =	seq.s32 @!p0 s5, $0x0  }
0x1f: {  	s9 =	smul.u32 $0xF7A, s1;
	s8 =	simm.s32 @!p0 $0x1BF5;
	p2 =	por !p2, p0  }
0x20: {  	[sflag:s8] =	ssyncset.s32 @!p0 $0xFFFFF086;
	s6 =	sadd.s32 @!p0 s3, s7;
	s7 =	simm.s32 @!p0 $0x108  }
0x21: {  	s3 =	sadd.s32 s3, s9;
	s6 =	sadd.s32 @!p0 $0x88, s6;
	s7 =	simm.s32 @p2 $0x1082  }
0x22: {  	[simem:s7], [sflag:s8] =	dma.local @!p0 [hbm:s6], $0xF7A  }
0x23: {  	s9 =	sor.u32 $0xD0000000, s2;
	s6 =	simm.s32 $0x108;
	_ =	swait.ge @!p0 [sflag:s8], $0x0  }
0x24: {  	s3 =	sadd.s32 $0x88, s3;
	s6 =	simm.s32 @!p1 $0x1082;
	[sflag:s4] =	ssyncset.s32 $0xFFFFF086  }
0x25: {  	[simem:s6], [sflag:s4] =	dma.local [hbm:s3], $0xF7A  }
0x26: {  	[smem:$0x3F9F] =	sst s1;
	(tag) =	ssettag s2;
	_ =	strace s9  }
0x27: {  	s1 =	sld [smem:$0x3FAF]  }
0x28: {  	s2 =	sld [smem:$0x3FB0]  }
0x29: {  	s4 =	sld [smem:$0x3FB2]  }
0x2a: {  	p0 =	seq.s32 s5, $0x0;
	s5 =	sld [smem:$0x3FB3]  }
0x2b: {  	s6 =	sld [smem:$0x3FB4]  }
0x2c: {  	s7 =	sld [smem:$0x3FB5]  }
0x2d: {  	s3 =	simm.s32 $0x108;
	s8 =	sld [smem:$0x3FB6]  }
0x2e: {  	s3 =	simm.s32 @!p0 $0x1082;
	s9 =	sld [smem:$0x3FB7]  }
0x2f: {  	lr =	sadd.s32 s0, s3;
	s0 =	sld [smem:$0x3FAE]  }
0x30: {  	s3 =	sld [smem:$0x3FB1]  }
0x31: {  	[smem:$0x3FBA] =	sst s10  }
0x32: {  	s10 =	sld [smem:$0x3FB8];
	_ =	sdelay $0x3  }
0x33: {  	p0 =	seq.s32 s10, $0x1;
	s10 =	sld [smem:$0x3FBA];
	_ =	sdelay $0x3  }
0x34: {  	[smem:$0x3FBA] =	sst s10  }
0x35: {  	s10 =	sld [smem:$0x3FB9];
	_ =	sdelay $0x3  }
0x36: {  	p1 =	seq.s32 s10, $0x1;
	s10 =	sld [smem:$0x3FBA];
	_ =	sdelay $0x3  }
0x37: {  	[smem:$0x3FBA] =	sst s10  }
0x38: {  	s10 =	sld [smem:$0x3FBB]  }
0x39: {  	_ = 	snop;
	(pc) =	sbr.ind lr, $3  }
0x3a: {  	_ = 	snop  }
0x3b: {  	_ = 	snop  }
0x3c: {  	p2 =	seq.s32 s10, $0x1;
	s10 =	sld [smem:$0x3FBA]  }
0x3d: {  	_ =	shalt  }
0x3e: {  	_ =	shalt  }
0x3f: {  	_ =	shalt  }
0x40: {  	_ =	shalt  }
0x41: {  	_ =	shalt  }
0x42: {  	_ =	shalt  }
0x43: {  	_ =	shalt  }
0x44: {  	_ =	shalt  }
0x45: {  	_ =	shalt  }
0x46: {  	_ =	shalt  }
0x47: {  	_ =	shalt  }
0x48: {  	_ =	shalt  }
0x49: {  	_ =	shalt  }
0x4a: {  	_ =	shalt  }
0x4b: {  	_ =	shalt  }
0x4c: {  	_ =	shalt  }
0x4d: {  	_ =	shalt  }
0x4e: {  	_ =	shalt  }
0x4f: {  	_ =	shalt  }
0x50: {  	_ =	shalt  }
0x51: {  	_ =	shalt  }
0x52: {  	_ =	shalt  }
0x53: {  	_ =	shalt  }
0x54: {  	_ =	shalt  }
0x55: {  	_ =	shalt  }
0x56: {  	_ =	shalt  }
0x57: {  	_ =	shalt  }
0x58: {  	_ =	shalt  }
0x59: {  	_ =	shalt  }
0x5a: {  	_ =	shalt  }
0x5b: {  	_ =	shalt  }
0x5c: {  	_ =	shalt  }
0x5d: {  	_ =	shalt  }
0x5e: {  	_ =	shalt  }
0x5f: {  	_ =	shalt  }
0x60: {  	_ =	shalt  }
0x61: {  	_ =	shalt  }
0x62: {  	_ =	shalt  }
0x63: {  	_ =	shalt  }
0x64: {  	_ =	shalt  }
0x65: {  	_ =	shalt  }
0x66: {  	_ =	shalt  }
0x67: {  	_ =	shalt  }
0x68: {  	_ =	shalt  }
0x69: {  	_ =	shalt  }
0x6a: {  	_ =	shalt  }
0x6b: {  	_ =	shalt  }
0x6c: {  	_ =	shalt  }
0x6d: {  	_ =	shalt  }
0x6e: {  	_ =	shalt  }
0x6f: {  	_ =	shalt  }
0x70: {  	_ =	shalt  }
0x71: {  	_ =	shalt  }
0x72: {  	_ =	shalt  }
0x73: {  	_ =	shalt  }
0x74: {  	_ =	shalt  }
0x75: {  	_ =	shalt  }
0x76: {  	_ =	shalt  }
0x77: {  	_ =	shalt  }
0x78: {  	_ =	shalt  }
0x79: {  	_ =	shalt  }
0x7a: {  	_ =	shalt  }
0x7b: {  	_ =	shalt  }
0x7c: {  	_ =	shalt  }
0x7d: {  	_ =	shalt  }
0x7e: {  	_ =	shalt  }
0x7f: {  	_ =	shalt  }
0x80: {  	_ =	shalt  }
0x81: {  	_ =	shalt  }
0x82: {  	_ =	shalt  }
0x83: {  	_ =	shalt  }
0x84: {  	_ =	shalt  }
0x85: {  	_ =	shalt  }
0x86: {  	_ =	shalt  }
0x87: {  	_ =	shalt  }
.Lfunc_end0:
.L_simem_size_0:
called_computation_lowered:
.L_overlay_start_0:
0x88: {  	s2 =	sld [smem:$0x3FD9]  }
0x89: {  	s3 =	sld [smem:$0x3FFE];
	_ =	sdelay $0x1  }
0x8a: {  	s1 =	srdreg.scid  }
0x8b: {  	s0 =	sand.u32 $0x1, s1  }
0x8c: {  	s17 =	sshll.u32 s0, $0xA;
	s2 =	sadd.s32 s3, s2  }
0x8d: {  	s2 =	sadd.s32 s2, s17  }
0x8e: {  	[smem:$0x3FC6] =	sst s2  }
0x8f: {  	_ = 	snop  }
0x90: {  	s2 =	sld [smem:$0x3FC8]  }
0x91: {  	s18 =	sld [smem:$0x3FD0];
	(tm) =	ssettm $0x1  }
0x92: {  	s4 =	sld [smem:$0x3FFB];
	_ =	sdelay $0x3  }
0x93: {  	_ =	strace s4  }
0x94: {  	s4 =	sld [smem:$0x3FFC];
	_ =	sdelay $0x3  }
0x95: {  	_ =	strace s4  }
0x96: {  	s4 =	sld [smem:$0x3FFD];
	_ =	sdelay $0x3  }
0x97: {  	_ =	strace s4  }
0x98: {  	_ =	strace $0x8FFFFFFF  }
0x99: {  	s19 =	sld [smem:$0x3FDB];
	_ =	sdelay $0x1  }
0x9a: {  	s5 =	simm.s32 $_scs_section_size  }
0x9b: {  	s6 =	simm.s32 $_size__tile_overlayer_lowered;
	s7 =	simm.s32 $_tile_overlayer_lowered  }
0x9c: {  	s22 =	simm.s32 $0x1BFF;
	s21 =	sshll.u32 s7, $0x1;
	s4 =	sadd.s32 s5, s19  }
0x9d: {  	s8 =	simm.s32 $0x0;
	s20 =	sshll.u32 s6, $0x1;
	s6 =	sadd.s32 s21, s4  }
0x9e: {  	[timem:s8], [sflag:s22] =	dma.local [hbm:s6], s20  }
0x9f: {  	_ =	swait.ge [sflag:s22], s20  }
0xa0: {  	s5 =	ssub.s32 $0x0, s20;
	[sflag:s22] =	ssyncset.done $0x0  }
0xa1: {  	[sflag:s22] =	ssyncadd.s32 s5;
	_ =	sdelay $0x1  }
0xa2: {  	s23 =	simm.s32 $0x1B8B  }
0xa3: {  	_ =	swait.ge [sflag:s23], $0x1  }
0xa4: {  	[sflag:s23] =	ssyncset.done $0x0  }
0xa5: {  	s25 =	simm.s32 $0x1B8E;
	s24 =	sld [smem:$0x3FFE];
	[sflag:s23] =	ssyncadd.s32 $0xFFFFFFFF  }
0xa6: {  	s26 =	simm.s32 $execute0_lowered;
	[smem:$0x3FD2] =	sst s25  }
0xa7: {  	s6 =	sshll.u32 s26, $0x1;
	_ =	strace $0x80000046;
	[dreg:$0x1] =	wrdreg $0xFFFFFFFF  }
0xa8: {  	s28 =	simm.s32 $_size_execute0_lowered;
	s4 =	sadd.s32 s4, s6;
	[dreg:$0x0] =	wrdreg $0x0  }
0xa9: {  	s6 =	sshll.u32 s28, $0x1;
	[dreg:$0x2] =	wrdreg s4  }
0xaa: {  	[dreg:$0x3] =	wrdreg s6  }
0xab: {  	[dreg:$0x4] =	wrdreg $0xC0  }
0xac: {  	_ =	task [dreg:s8], $0x5FFFF  }
0xad: {  	[dreg:$0x1] =	wrdreg $0xFFFFFFFF  }
0xae: {  	[dreg:$0x0] =	wrdreg $0x60  }
0xaf: {  	[dreg:$0x2] =	wrdreg s2  }
0xb0: {  	[dreg:$0x3] =	wrdreg s24  }
0xb1: {  	[dreg:$0x4] =	wrdreg s18  }
0xb2: {  	[dreg:$0x5] =	wrdreg $0x9  }
0xb3: {  	_ =	task.clear_ibuf [dreg:s8], $0x6FFFF;
	_ =	strace $0x90000046  }
0xb4: {  	s29 =	simm.s32 $0x9;
	_ =	strace $0x80000048  }
0xb5: {  	_ =	swait.ge [sflag:s29], $0x1  }
0xb6: {  	[sflag:s29] =	ssyncadd.s32 $0xFFFFFFFF  }
0xb7: {  	_ =	strace $0x90000048  }
0xb8: {  	_ =	sfence  }
0xb9: {  	s30 =	sld [smem:$0x0];
	_ =	sdelay $0x2  }
0xba: {  	s31 =	sshll.u32 s1, $0xD;
	s1 =	sshrl.u32 s1, $0x2  }
0xbb: {  	s3 =	sand.u32 $0x4000, s31;
	s1 =	sadd.s32 s1, s30  }
0xbc: {  	s0 =	sor.u32 s3, s0;
	s1 =	sshll.u32 s1, $0x11  }
0xbd: {  	s0 =	sor.u32 s1, s0  }
0xbe: {  	s0 =	sadd.s32 $0x8F2B, s0  }
0xbf: {  	[sflag:s0] =	ssyncadd.remote.s32 $0x1  }
0xc0: {  	_ =	sfence.sel $0xFFFF  }
0xc1: {  	[dreg:$0x0] =	wrdreg $0xFFFFFFFF;
	(pc) =	sbr.abs _section_cstart, $3  }
0xc2: {  	[dreg:$0x1] =	wrdreg $0xFFFFFFFF  }
0xc3: {  	_ =	task.clear_ibuf [dreg:s8], $0x2FFFF;
	_ =	strace $0x9FFFFFFF  }
0xc4: {  	(tm) =	ssettm $0x7FFFFFFF  }
0xc5: {  	_ =	shalt  }
tec
execute0_lowered:
.L_overlay_start_1:
0x0: {  	(tag) =	ssettag $0x1  }
0x1: {  	s1 =	rddreg [dreg:$0x0]  }
0x2: {  	s0 =	rddreg [dreg:$0x1]  }
0x3: {  	s2 =	rddreg [dreg:$0x2];
	s3 =	srdreg.scid  }
0x4: {  	s12 =	stileid.u32;
	s28 =	simm.s32 $0xC8;
	s29 =	simm.s32 $0x100  }
0x5: {  	s30 =	simm.s32 $0x6800;
	s31 =	simm.s32 $0x1;
	s6 =	sand.u32 $0x1, s3  }
0x6: {  	s3 =	simm.s32 $0x0;
	s5 =	sshll.u32 s12, $0x6;
	s7 =	sshll.u32 s6, $0x5  }
0x7: {  	s4 =	sadd.s32 $0x400, s0;
	s22 =	ssub.s32 $0x2, s6;
	s21 =	sor.u32 s7, s5  }
0x8: {  	[smem:$0x7FF] =	sst s3;
	s9 =	sshrl.u32 s22, $0x1;
	s8 =	smul.u32 $0xC80, s21  }
0x9: {  	_ =	strace $0x80000047;
	s5 =	sshll.u32 s21, $0x5;
	s10 =	smul.u32 $0x6400, s21  }
0xa: {  	s7 =	ssub.s32 s22, s9;
	s14 =	sor.u32 $0x1E, s21;
	s5 =	sadd.s32 s4, s5  }
0xb: {  	s0 =	sor.u32 $0x1F, s21;
	s21 =	smul.u32 $0x32000, s12;
	s23 =	sadd.s32 $0x10, s5  }
0xc: {  	s17 =	sshll.u32 s14, $0x5;
	s25 =	sadd.s32 $0x20, s5;
	[dreg:$0x4] =	wrdreg s23  }
0xd: {  	s18 =	sshll.u32 s0, $0x5;
	s24 =	sadd.s32 s2, s8;
	[dreg:$0x6] =	wrdreg s25  }
0xe: {  	s26 =	sshrl.u32 s10, $0x3;
	s10 =	sadd.s32 $0x30, s5;
	[dreg:$0x5] =	wrdreg s24  }
0xf: {  	s0 =	smul.u32 $0xC80, s0;
	s13 =	sadd.s32 $0x40, s5;
	[dreg:$0x8] =	wrdreg s10  }
0x10: {  	s16 =	sadd.s32 $0x50, s5;
	s19 =	sand.u32 $0x7F00, s18;
	[dreg:$0xa] =	wrdreg s13  }
0x11: {  	s9 =	sadd.s32 $0xC80, s24;
	s8 =	sadd.s32 s2, s26;
	[dreg:$0xc] =	wrdreg s16  }
0x12: {  	s10 =	sand.u32 $0x7F00, s17;
	s20 =	sadd.s32 s19, s4;
	s23 =	smul.u32 $0x19000, s6  }
0x13: {  	s0 =	sadd.s32 s2, s0;
	s24 =	smax.u32 s7, $0x1;
	s25 =	sadd.s32 s21, s2  }
0x14: {  	s26 =	sshll.u32 s12, $0xB;
	s6 =	sshll.u32 s6, $0xA;
	s12 =	simm.s32 $0x4  }
0x15: {  	s13 =	simm.s32 $0x6;
	s7 =	simm.s32 $0x8;
	[dreg:$0x7] =	wrdreg s9  }
0x16: {  	s11 =	sadd.s32 $0x1900, s8;
	s15 =	sadd.s32 $0x2580, s8;
	[dreg:$0x12] =	wrdreg s0  }
0x17: {  	s10 =	sadd.s32 s10, s4;
	s9 =	smul.u32 $0xC80, s14;
	[dreg:$0x13] =	wrdreg s24  }
0x18: {  	s24 =	simm.s32 $0x80;
	s14 =	simm.s32 $0x7;
	[dreg:$0x9] =	wrdreg s11  }
0x19: {  	[dreg:$0xb] =	wrdreg s15;
	s11 =	sadd.s32 $0x15E00, s8;
	s10 =	sadd.s32 $0x60, s10  }
0x1a: {  	s8 =	sadd.s32 $0x16A80, s8;
	s0 =	sadd.s32 s23, s25;
	s23 =	sor.u32 s6, s26  }
0x1b: {  	s25 =	simm.s32 $0x400;
	s26 =	simm.s32 $0x9;
	[dreg:$0xd] =	wrdreg s11  }
0x1c: {  	s6 =	simm.s32 $0x2;
	s15 =	simm.s32 $0x0;
	[dreg:$0xe] =	wrdreg s10  }
0x1d: {  	[dreg:$0xf] =	wrdreg s8;
	s8 =	sadd.s32 $0x70, s20;
	s22 =	sadd.s32 s2, s9  }
0x1e: {  	s2 =	simm.s32 $0xCC00;
	s9 =	simm.s32 $0x13000;
	[dreg:$0x10] =	wrdreg s8  }
0x1f: {  	s10 =	simm.s32 $0x3;
	s11 =	simm.s32 $0x5;
	[dreg:$0x11] =	wrdreg s22  }
0x20: {  	s22 =	sadd.s32 $0x3200, s0;
	s0 =	simm.s32 $0x200;
	s8 =	simm.s32 $0x300  }
.LBB2_1:
0x21: {  	[tilespmem:s3], [sflag:$0x9] =	stream.strided.gather [hbm4b:s5+s24], $0x100, s25, s24, $0x38;
	[tilespmem:$0x19400] =	vst v63  }
0x22: {  	_ =	swait.ge [sflag:s26], $0x100  }
0x23: {  	[sflag:s26] =	ssyncset.done $0x0  }
0x24: {  	[sflag:s26] =	ssyncadd.s32 $0xFFFFFF00  }
0x25: {  	[tilespmem:s25], [sflag:$0x1] =	stream.indirect.gather [hbm4b:s1+s28], $0x80, s3, s28, $0xb8;
	[tilespmem:$0x19400] =	vst v63  }
0x26: {  	s16 =	rddreg [dreg:$0x4]  }
0x27: {  	[tilespmem:s29], [sflag:$0x9] =	stream.strided.gather [hbm4b:s16+s24], $0x100, s25, s24, $0x38;
	[tilespmem:$0x19400] =	vst v63  }
0x28: {  	_ =	swait.ge [sflag:s26], $0x100  }
0x29: {  	[sflag:s26] =	ssyncset.done $0x0  }
0x2a: {  	[sflag:s26] =	ssyncadd.s32 $0xFFFFFF00  }
0x2b: {  	[tilespmem:s30], [sflag:$0x2] =	stream.indirect.gather [hbm4b:s1+s28], $0x80, s29, s28, $0xb8;
	[tilespmem:$0x19400] =	vst v63  }
0x2c: {  	_ =	swait.ge [sflag:s31], $0x6400  }
0x2d: {  	[sflag:s31] =	ssyncset.done $0x0  }
0x2e: {  	s18 =	rddreg [dreg:$0x5];
	[sflag:s31] =	ssyncadd.s32 $0xFFFF9C00  }
0x2f: {  	[hbm4b:s18+s3] =	stream.linear.scatter [tilespmem:s25], [sflag:$0x5], $0x6400, $0x38;
	[tilespmem:$0x19400] =	vst v63  }
0x30: {  	s19 =	rddreg [dreg:$0x6]  }
0x31: {  	[tilespmem:s0], [sflag:$0x9] =	stream.strided.gather [hbm4b:s19+s24], $0x100, s25, s24, $0x38;
	[tilespmem:$0x19400] =	vst v63  }
0x32: {  	_ =	swait.ge [sflag:s26], $0x100  }
0x33: {  	[sflag:s26] =	ssyncset.done $0x0  }
0x34: {  	[sflag:s26] =	ssyncadd.s32 $0xFFFFFF00  }
0x35: {  	[tilespmem:s2], [sflag:$0x3] =	stream.indirect.gather [hbm4b:s1+s28], $0x80, s0, s28, $0xb8;
	[tilespmem:$0x19400] =	vst v63  }
0x36: {  	_ =	swait.ge [sflag:s6], $0x6400  }
0x37: {  	[sflag:s6] =	ssyncset.done $0x0  }
0x38: {  	s20 =	rddreg [dreg:$0x7];
	[sflag:s6] =	ssyncadd.s32 $0xFFFF9C00  }
0x39: {  	[hbm4b:s20+s3] =	stream.linear.scatter [tilespmem:s30], [sflag:$0x6], $0x6400, $0x38;
	[tilespmem:$0x19400] =	vst v63  }
0x3a: {  	s21 =	rddreg [dreg:$0x8]  }
0x3b: {  	[tilespmem:s8], [sflag:$0x9] =	stream.strided.gather [hbm4b:s21+s24], $0x100, s25, s24, $0x38;
	[tilespmem:$0x19400] =	vst v63  }
0x3c: {  	_ =	swait.ge [sflag:s26], $0x100  }
0x3d: {  	[sflag:s26] =	ssyncset.done $0x0  }
0x3e: {  	[sflag:s26] =	ssyncadd.s32 $0xFFFFFF00  }
0x3f: {  	[tilespmem:s9], [sflag:$0x4] =	stream.indirect.gather [hbm4b:s1+s28], $0x80, s8, s28, $0xb8;
	[tilespmem:$0x19400] =	vst v63  }
0x40: {  	_ =	swait.ge [sflag:s10], $0x6400  }
0x41: {  	[sflag:s10] =	ssyncset.done $0x0  }
0x42: {  	s17 =	rddreg [dreg:$0x9];
	[sflag:s10] =	ssyncadd.s32 $0xFFFF9C00  }
0x43: {  	[hbm4b:s17+s3] =	stream.linear.scatter [tilespmem:s2], [sflag:$0x7], $0x6400, $0x38;
	[tilespmem:$0x19400] =	vst v63  }
0x44: {  	_ =	swait.ge [sflag:s11], $0x6400  }
0x45: {  	[sflag:s11] =	ssyncset.done $0x0  }
0x46: {  	s18 =	rddreg [dreg:$0xa];
	[sflag:s11] =	ssyncadd.s32 $0xFFFF9C00  }
0x47: {  	[tilespmem:s3], [sflag:$0x9] =	stream.strided.gather [hbm4b:s18+s24], $0x100, s25, s24, $0x38;
	[tilespmem:$0x19400] =	vst v63  }
0x48: {  	_ =	swait.ge [sflag:s26], $0x100  }
0x49: {  	[sflag:s26] =	ssyncset.done $0x0  }
0x4a: {  	[sflag:s26] =	ssyncadd.s32 $0xFFFFFF00  }
0x4b: {  	[tilespmem:s25], [sflag:$0x1] =	stream.indirect.gather [hbm4b:s1+s28], $0x80, s3, s28, $0xb8;
	[tilespmem:$0x19400] =	vst v63  }
0x4c: {  	_ =	swait.ge [sflag:s12], $0x6400  }
0x4d: {  	[sflag:s12] =	ssyncset.done $0x0  }
0x4e: {  	s19 =	rddreg [dreg:$0xb];
	[sflag:s12] =	ssyncadd.s32 $0xFFFF9C00  }
0x4f: {  	[hbm4b:s19+s3] =	stream.linear.scatter [tilespmem:s9], [sflag:$0x8], $0x6400, $0x38;
	[tilespmem:$0x19400] =	vst v63  }
0x50: {  	_ =	swait.ge [sflag:s13], $0x6400  }
0x51: {  	[sflag:s13] =	ssyncset.done $0x0  }
0x52: {  	s20 =	rddreg [dreg:$0xc];
	[sflag:s13] =	ssyncadd.s32 $0xFFFF9C00  }
0x53: {  	[tilespmem:s29], [sflag:$0x9] =	stream.strided.gather [hbm4b:s20+s24], $0x100, s25, s24, $0x38;
	[tilespmem:$0x19400] =	vst v63  }
0x54: {  	_ =	swait.ge [sflag:s26], $0x100  }
0x55: {  	[sflag:s26] =	ssyncset.done $0x0  }
0x56: {  	[sflag:s26] =	ssyncadd.s32 $0xFFFFFF00  }
0x57: {  	[tilespmem:s30], [sflag:$0x2] =	stream.indirect.gather [hbm4b:s1+s28], $0x80, s29, s28, $0xb8;
	[tilespmem:$0x19400] =	vst v63  }
0x58: {  	_ =	swait.ge [sflag:s31], $0x6400  }
0x59: {  	[sflag:s31] =	ssyncset.done $0x0  }
0x5a: {  	s21 =	simm.s32 $0x60;
	[sflag:s31] =	ssyncadd.s32 $0xFFFF9C00  }
0x5b: {  	[hbm4b:s22+s3] =	stream.linear.scatter [tilespmem:s25], [sflag:$0x5], $0x6400, $0x38;
	[tilespmem:$0x19400] =	vst v63  }
0x5c: {  	s16 =	sand.u32 $0x60, s21;
	s17 =	sadd.s32 $0xC0, s23;
	_ =	swait.ge [sflag:s14], $0x6400  }
0x5d: {  	s16 =	sadd.s32 s4, s16;
	s17 =	sand.u32 $0x7F00, s17;
	[sflag:s14] =	ssyncset.done $0x0  }
0x5e: {  	s16 =	sadd.s32 s17, s16;
	[sflag:s14] =	ssyncadd.s32 $0xFFFF9C00  }
0x5f: {  	[tilespmem:s0], [sflag:$0x9] =	stream.strided.gather [hbm4b:s16+s24], $0x100, s25, s24, $0x38;
	[tilespmem:$0x19400] =	vst v63  }
0x60: {  	_ =	swait.ge [sflag:s26], $0x100  }
0x61: {  	[sflag:s26] =	ssyncset.done $0x0  }
0x62: {  	[sflag:s26] =	ssyncadd.s32 $0xFFFFFF00  }
0x63: {  	[tilespmem:s2], [sflag:$0x3] =	stream.indirect.gather [hbm4b:s1+s28], $0x80, s0, s28, $0xb8;
	[tilespmem:$0x19400] =	vst v63  }
0x64: {  	_ =	swait.ge [sflag:s6], $0x6400  }
0x65: {  	[sflag:s6] =	ssyncset.done $0x0  }
0x66: {  	s17 =	sadd.s32 $0xC80, s22;
	s18 =	simm.s32 $0x70;
	[sflag:s6] =	ssyncadd.s32 $0xFFFF9C00  }
0x67: {  	[hbm4b:s17+s3] =	stream.linear.scatter [tilespmem:s30], [sflag:$0x6], $0x6400, $0x38;
	[tilespmem:$0x19400] =	vst v63  }
0x68: {  	s19 =	sadd.s32 $0xE0, s23;
	s17 =	sand.u32 $0x70, s18;
	_ =	swait.ge [sflag:s7], $0x6400  }
0x69: {  	s16 =	sand.u32 $0x7F00, s19;
	s17 =	sadd.s32 s4, s17;
	[sflag:s7] =	ssyncset.done $0x0  }
0x6a: {  	s16 =	sadd.s32 s16, s17;
	[sflag:s7] =	ssyncadd.s32 $0xFFFF9C00  }
0x6b: {  	[tilespmem:s8], [sflag:$0x9] =	stream.strided.gather [hbm4b:s16+s24], $0x100, s25, s24, $0x38;
	[tilespmem:$0x19400] =	vst v63  }
0x6c: {  	_ =	swait.ge [sflag:s26], $0x100  }
0x6d: {  	[sflag:s26] =	ssyncset.done $0x0  }
0x6e: {  	[sflag:s26] =	ssyncadd.s32 $0xFFFFFF00  }
0x6f: {  	[tilespmem:s9], [sflag:$0x4] =	stream.indirect.gather [hbm4b:s1+s28], $0x80, s8, s28, $0xb8;
	[tilespmem:$0x19400] =	vst v63  }
0x70: {  	_ =	swait.ge [sflag:s10], $0x6400  }
0x71: {  	[sflag:s10] =	ssyncset.done $0x0  }
0x72: {  	s21 =	simm.s32 $0x80;
	s20 =	sadd.s32 $0x1900, s22;
	[sflag:s10] =	ssyncadd.s32 $0xFFFF9C00  }
0x73: {  	[hbm4b:s20+s3] =	stream.linear.scatter [tilespmem:s2], [sflag:$0x7], $0x6400, $0x38;
	[tilespmem:$0x19400] =	vst v63  }
0x74: {  	s18 =	sadd.s32 $0x100, s23;
	s17 =	sand.u32 $0x40, s21;
	_ =	swait.ge [sflag:s11], $0x6400  }
0x75: {  	s17 =	sadd.s32 s4, s17;
	s16 =	sand.u32 $0xFF00, s18;
	[sflag:s11] =	ssyncset.done $0x0  }
0x76: {  	s16 =	sadd.s32 s16, s17;
	[sflag:s11] =	ssyncadd.s32 $0xFFFF9C00  }
0x77: {  	[tilespmem:s3], [sflag:$0x9] =	stream.strided.gather [hbm4b:s16+s24], $0x100, s25, s24, $0x38;
	[tilespmem:$0x19400] =	vst v63  }
0x78: {  	_ =	swait.ge [sflag:s26], $0x100  }
0x79: {  	[sflag:s26] =	ssyncset.done $0x0  }
0x7a: {  	[sflag:s26] =	ssyncadd.s32 $0xFFFFFF00  }
0x7b: {  	[tilespmem:s25], [sflag:$0x1] =	stream.indirect.gather [hbm4b:s1+s28], $0x80, s3, s28, $0xb8;
	[tilespmem:$0x19400] =	vst v63  }
0x7c: {  	_ =	swait.ge [sflag:s12], $0x6400  }
0x7d: {  	[sflag:s12] =	ssyncset.done $0x0  }
0x7e: {  	s19 =	simm.s32 $0x90;
	s20 =	sadd.s32 $0x2580, s22;
	[sflag:s12] =	ssyncadd.s32 $0xFFFF9C00  }
0x7f: {  	[hbm4b:s20+s3] =	stream.linear.scatter [tilespmem:s9], [sflag:$0x8], $0x6400, $0x38;
	[tilespmem:$0x19400] =	vst v63  }
0x80: {  	s21 =	sadd.s32 $0x120, s23;
	s16 =	sand.u32 $0x50, s19;
	_ =	swait.ge [sflag:s13], $0x6400  }
0x81: {  	s17 =	sand.u32 $0xFF00, s21;
	s16 =	sadd.s32 s4, s16;
	[sflag:s13] =	ssyncset.done $0x0  }
0x82: {  	s16 =	sadd.s32 s17, s16;
	[sflag:s13] =	ssyncadd.s32 $0xFFFF9C00  }
0x83: {  	[tilespmem:s29], [sflag:$0x9] =	stream.strided.gather [hbm4b:s16+s24], $0x100, s25, s24, $0x38;
	[tilespmem:$0x19400] =	vst v63  }
0x84: {  	_ =	swait.ge [sflag:s26], $0x100  }
0x85: {  	s18 =	sadd.s32 $0x80, s23;
	[sflag:s26] =	ssyncset.done $0x0  }
0x86: {  	s17 =	sadd.s32 $0x3200, s22;
	s16 =	simm.s32 $0xD0;
	[sflag:s26] =	ssyncadd.s32 $0xFFFFFF00  }
.LBB2_2:
0x87: {  	[tilespmem:s30], [sflag:$0x2] =	stream.indirect.gather [hbm4b:s1+s28], $0x80, s29, s28, $0xb8;
	[tilespmem:$0x19400] =	vst v63  }
0x88: {  	s19 =	smov.u32 s16  }
0x89: {  	p0 =	sne.s32 s16, $0x1D0;
	s16 =	sadd.s32 $0x40, s16;
	_ =	swait.ge [sflag:s31], $0x6400  }
0x8a: {  	[sflag:s31] =	ssyncset.done $0x0  }
0x8b: {  	s20 =	sadd.s32 $0xFFFFFFD0, s19;
	[sflag:s31] =	ssyncadd.s32 $0xFFFF9C00  }
0x8c: {  	[hbm4b:s17+s3] =	stream.linear.scatter [tilespmem:s25], [sflag:$0x5], $0x6400, $0x38;
	[tilespmem:$0x19400] =	vst v63  }
0x8d: {  	s21 =	sadd.s32 $0xC0, s18;
	s20 =	sand.u32 $0x60, s20;
	_ =	swait.ge [sflag:s14], $0x6400  }
0x8e: {  	s21 =	sand.u32 $0x7F00, s21;
	s20 =	sadd.s32 s4, s20;
	[sflag:s14] =	ssyncset.done $0x0  }
0x8f: {  	s20 =	sadd.s32 s21, s20;
	[sflag:s14] =	ssyncadd.s32 $0xFFFF9C00  }
0x90: {  	[tilespmem:s0], [sflag:$0x9] =	stream.strided.gather [hbm4b:s20+s24], $0x100, s25, s24, $0x38;
	[tilespmem:$0x19400] =	vst v63  }
0x91: {  	_ =	swait.ge [sflag:s26], $0x100  }
0x92: {  	[sflag:s26] =	ssyncset.done $0x0  }
0x93: {  	[sflag:s26] =	ssyncadd.s32 $0xFFFFFF00  }
0x94: {  	[tilespmem:s2], [sflag:$0x3] =	stream.indirect.gather [hbm4b:s1+s28], $0x80, s0, s28, $0xb8;
	[tilespmem:$0x19400] =	vst v63  }
0x95: {  	_ =	swait.ge [sflag:s6], $0x6400  }
0x96: {  	[sflag:s6] =	ssyncset.done $0x0  }
0x97: {  	s21 =	sadd.s32 $0xFFFFFFE0, s19;
	s20 =	sadd.s32 $0xC80, s17;
	[sflag:s6] =	ssyncadd.s32 $0xFFFF9C00  }
0x98: {  	[hbm4b:s20+s3] =	stream.linear.scatter [tilespmem:s30], [sflag:$0x6], $0x6400, $0x38;
	[tilespmem:$0x19400] =	vst v63  }
0x99: {  	s21 =	sand.u32 $0x70, s21;
	s20 =	sadd.s32 $0xE0, s18;
	_ =	swait.ge [sflag:s7], $0x6400  }
0x9a: {  	s21 =	sadd.s32 s4, s21;
	s20 =	sand.u32 $0x7F00, s20;
	[sflag:s7] =	ssyncset.done $0x0  }
0x9b: {  	s20 =	sadd.s32 s20, s21;
	[sflag:s7] =	ssyncadd.s32 $0xFFFF9C00  }
0x9c: {  	[tilespmem:s8], [sflag:$0x9] =	stream.strided.gather [hbm4b:s20+s24], $0x100, s25, s24, $0x38;
	[tilespmem:$0x19400] =	vst v63  }
0x9d: {  	_ =	swait.ge [sflag:s26], $0x100  }
0x9e: {  	[sflag:s26] =	ssyncset.done $0x0  }
0x9f: {  	[sflag:s26] =	ssyncadd.s32 $0xFFFFFF00  }
0xa0: {  	[tilespmem:s9], [sflag:$0x4] =	stream.indirect.gather [hbm4b:s1+s28], $0x80, s8, s28, $0xb8;
	[tilespmem:$0x19400] =	vst v63  }
0xa1: {  	_ =	swait.ge [sflag:s10], $0x6400  }
0xa2: {  	[sflag:s10] =	ssyncset.done $0x0  }
0xa3: {  	s21 =	sadd.s32 $0xFFFFFFF0, s19;
	s20 =	sadd.s32 $0x1900, s17;
	[sflag:s10] =	ssyncadd.s32 $0xFFFF9C00  }
0xa4: {  	[hbm4b:s20+s3] =	stream.linear.scatter [tilespmem:s2], [sflag:$0x7], $0x6400, $0x38;
	[tilespmem:$0x19400] =	vst v63  }
0xa5: {  	s21 =	sand.u32 $0x40, s21;
	s20 =	sadd.s32 $0x100, s18;
	_ =	swait.ge [sflag:s11], $0x6400  }
0xa6: {  	s21 =	sadd.s32 s4, s21;
	s20 =	sand.u32 $0xFF00, s20;
	[sflag:s11] =	ssyncset.done $0x0  }
0xa7: {  	s20 =	sadd.s32 s20, s21;
	[sflag:s11] =	ssyncadd.s32 $0xFFFF9C00  }
0xa8: {  	[tilespmem:s3], [sflag:$0x9] =	stream.strided.gather [hbm4b:s20+s24], $0x100, s25, s24, $0x38;
	[tilespmem:$0x19400] =	vst v63  }
0xa9: {  	_ =	swait.ge [sflag:s26], $0x100  }
0xaa: {  	[sflag:s26] =	ssyncset.done $0x0  }
0xab: {  	[sflag:s26] =	ssyncadd.s32 $0xFFFFFF00  }
0xac: {  	[tilespmem:s25], [sflag:$0x1] =	stream.indirect.gather [hbm4b:s1+s28], $0x80, s3, s28, $0xb8;
	[tilespmem:$0x19400] =	vst v63  }
0xad: {  	_ =	swait.ge [sflag:s12], $0x6400  }
0xae: {  	[sflag:s12] =	ssyncset.done $0x0  }
0xaf: {  	s20 =	sadd.s32 $0x2580, s17;
	[sflag:s12] =	ssyncadd.s32 $0xFFFF9C00  }
0xb0: {  	[hbm4b:s20+s3] =	stream.linear.scatter [tilespmem:s9], [sflag:$0x8], $0x6400, $0x38;
	[tilespmem:$0x19400] =	vst v63  }
0xb1: {  	s19 =	sand.u32 $0x50, s19;
	s20 =	sadd.s32 $0x120, s18;
	_ =	swait.ge [sflag:s13], $0x6400  }
0xb2: {  	s19 =	sadd.s32 s4, s19;
	s20 =	sand.u32 $0xFF00, s20;
	[sflag:s13] =	ssyncset.done $0x0  }
.Ltmp0:
0xb3: {  	s19 =	sadd.s32 s20, s19;
	[sflag:s13] =	ssyncadd.s32 $0xFFFF9C00;
	(pc) =	sbr.rel @p0 .LBB2_2-.Ltmp0, $4  }
0xb4: {  	[tilespmem:s29], [sflag:$0x9] =	stream.strided.gather [hbm4b:s19+s24], $0x100, s25, s24, $0x38;
	[tilespmem:$0x19400] =	vst v63  }
0xb5: {  	_ =	swait.ge [sflag:s26], $0x100  }
0xb6: {  	[sflag:s26] =	ssyncset.done $0x0  }
0xb7: {  	s17 =	sadd.s32 $0x3200, s17;
	s18 =	sadd.s32 $0x80, s18;
	[sflag:s26] =	ssyncadd.s32 $0xFFFFFF00  }
0xb8: {  	[tilespmem:s30], [sflag:$0x2] =	stream.indirect.gather [hbm4b:s1+s28], $0x80, s29, s28, $0xb8;
	[tilespmem:$0x19400] =	vst v63  }
0xb9: {  	_ =	swait.ge [sflag:s31], $0x6400  }
0xba: {  	[sflag:s31] =	ssyncset.done $0x0  }
0xbb: {  	s16 =	rddreg [dreg:$0xd];
	[sflag:s31] =	ssyncadd.s32 $0xFFFF9C00  }
0xbc: {  	[hbm4b:s16+s3] =	stream.linear.scatter [tilespmem:s25], [sflag:$0x5], $0x6400, $0x38;
	[tilespmem:$0x19400] =	vst v63  }
0xbd: {  	_ =	swait.ge [sflag:s14], $0x6400  }
0xbe: {  	[sflag:s14] =	ssyncset.done $0x0  }
0xbf: {  	s21 =	rddreg [dreg:$0xe];
	[sflag:s14] =	ssyncadd.s32 $0xFFFF9C00  }
0xc0: {  	[tilespmem:s0], [sflag:$0x9] =	stream.strided.gather [hbm4b:s21+s24], $0x100, s25, s24, $0x38;
	[tilespmem:$0x19400] =	vst v63  }
0xc1: {  	_ =	swait.ge [sflag:s26], $0x100  }
0xc2: {  	[sflag:s26] =	ssyncset.done $0x0  }
0xc3: {  	[sflag:s26] =	ssyncadd.s32 $0xFFFFFF00  }
0xc4: {  	[tilespmem:s2], [sflag:$0x3] =	stream.indirect.gather [hbm4b:s1+s28], $0x80, s0, s28, $0xb8;
	[tilespmem:$0x19400] =	vst v63  }
0xc5: {  	_ =	swait.ge [sflag:s6], $0x6400  }
0xc6: {  	[sflag:s6] =	ssyncset.done $0x0  }
0xc7: {  	s17 =	rddreg [dreg:$0xf];
	[sflag:s6] =	ssyncadd.s32 $0xFFFF9C00  }
0xc8: {  	[hbm4b:s17+s3] =	stream.linear.scatter [tilespmem:s30], [sflag:$0x6], $0x6400, $0x38;
	[tilespmem:$0x19400] =	vst v63  }
0xc9: {  	_ =	swait.ge [sflag:s7], $0x6400  }
0xca: {  	[sflag:s7] =	ssyncset.done $0x0  }
0xcb: {  	s18 =	rddreg [dreg:$0x10];
	[sflag:s7] =	ssyncadd.s32 $0xFFFF9C00  }
0xcc: {  	[tilespmem:s8], [sflag:$0x9] =	stream.strided.gather [hbm4b:s18+s24], $0x100, s25, s24, $0x38;
	[tilespmem:$0x19400] =	vst v63  }
0xcd: {  	_ =	swait.ge [sflag:s26], $0x100  }
0xce: {  	[sflag:s26] =	ssyncset.done $0x0  }
0xcf: {  	[sflag:s26] =	ssyncadd.s32 $0xFFFFFF00  }
0xd0: {  	[tilespmem:s9], [sflag:$0x4] =	stream.indirect.gather [hbm4b:s1+s28], $0x80, s8, s28, $0xb8;
	[tilespmem:$0x19400] =	vst v63  }
0xd1: {  	_ =	swait.ge [sflag:s10], $0x6400  }
0xd2: {  	[sflag:s10] =	ssyncset.done $0x0  }
0xd3: {  	s19 =	rddreg [dreg:$0x11];
	[sflag:s10] =	ssyncadd.s32 $0xFFFF9C00  }
0xd4: {  	[hbm4b:s19+s3] =	stream.linear.scatter [tilespmem:s2], [sflag:$0x7], $0x6400, $0x38;
	[tilespmem:$0x19400] =	vst v63  }
0xd5: {  	_ =	swait.ge [sflag:s11], $0x6400  }
0xd6: {  	[sflag:s11] =	ssyncset.done $0x0  }
0xd7: {  	[sflag:s11] =	ssyncadd.s32 $0xFFFF9C00  }
0xd8: {  	_ =	swait.ge [sflag:s12], $0x6400  }
0xd9: {  	[sflag:s12] =	ssyncset.done $0x0  }
0xda: {  	s20 =	rddreg [dreg:$0x12];
	[sflag:s12] =	ssyncadd.s32 $0xFFFF9C00  }
0xdb: {  	[hbm4b:s20+s3] =	stream.linear.scatter [tilespmem:s9], [sflag:$0x8], $0x6400, $0x38;
	[tilespmem:$0x19400] =	vst v63  }
0xdc: {  	_ =	swait.ge [sflag:s13], $0x6400  }
0xdd: {  	[sflag:s13] =	ssyncset.done $0x0  }
0xde: {  	[sflag:s13] =	ssyncadd.s32 $0xFFFF9C00  }
0xdf: {  	_ =	swait.ge [sflag:s14], $0x6400  }
0xe0: {  	[sflag:s14] =	ssyncset.done $0x0  }
0xe1: {  	[sflag:s14] =	ssyncadd.s32 $0xFFFF9C00  }
0xe2: {  	_ =	swait.ge [sflag:s7], $0x6400  }
0xe3: {  	s15 =	sadd.s32 $0x1, s15;
	s21 =	rddreg [dreg:$0x13]  }
0xe4: {  	p0 =	sne.s32 s15, s21  }
.Ltmp1:
0xe5: {  	_ = 	snop;
	(pc) =	sbr.rel @p0 .LBB2_1-.Ltmp1, $3  }
0xe6: {  	_ =	sdelay $0x1  }
0xe7: {  	[sflag:s7] =	ssyncset.done $0x0  }
0xe8: {  	[sflag:s7] =	ssyncadd.s32 $0xFFFF9C00  }
0xe9: {  	_ =	sfence.sel $0x180000  }
0xea: {  	[bflag:$0x0] =	sbarrier.arrive $0xFFFF  }
0xeb: {  	_ =	strace $0x90000047  }
0xec: {  	s0 =	stileid.u32;
	[bflag:$0x2] =	sbarrier.arrive $0xFFFF  }
0xed: {  	p0 =	sne.s32 s0, $0x0;
	s0 =	rddreg [dreg:$0x3]  }
0xee: {  	s0 =	sadd.s32 @!p0 $0x100000, s0  }
0xef: {  	[sflag:s0] =	ssyncadd.tile.s32 @!p0 $0x1;
	_ =	shalt  }
.Lfunc_end2:
_tile_overlayer_lowered:
.L_overlay_start_2:
0xf0: {  	(tag) =	ssettag $0x2  }
0xf1: {  	s0 =	rddreg [dreg:$0x0];
	s2 =	stileid.u32  }
0xf2: {  	s1 =	rddreg [dreg:$0x1];
	p0 =	sne.s32 s2, $0x0  }
0xf3: {  	s3 =	rddreg [dreg:$0x2];
	[bflag:$0x3] =	sbarrier.arrive $0xFFFF;
	s2 =	simm.s32 @!p0 $0x1C09  }
0xf4: {  	[timem:s3], [sflag:s2] =	dma.local @!p0 [hbm:s0], s1  }
0xf5: {  	s0 =	simm.s32 @!p0 $0x9  }
0xf6: {  	_ =	swait.ge @!p0 [sflag:s0], s1  }
0xf7: {  	s1 =	ssub.s32 @!p0 $0x0, s1;
	[sflag:s0] =	ssyncset.done @!p0 $0x0  }
0xf8: {  	[sflag:s0] =	ssyncadd.s32 @!p0 s1  }
0xf9: {  	[bflag:$0x3] =	sbarrier.arrive $0xFFFF  }
0xfa: {  	_ =	shalt  }

</sc_bundles>
